<compile_context>
chip_gen: v7x
topology: tpu7x:2x2x1
jax: 0.10.2.dev20260603
libtpu: 0.0.44.dev20260713+nightly
codegen_flags: <defaults>
</compile_context>

<pallas_src>
import jax
import jax.numpy as jnp
from jax import lax
from jax.experimental import pallas as pl
from jax.experimental.pallas import tpu as pltpu
from jax.experimental.pallas import tpu_sc as plsc

HIDDEN = 128
N_NODES = 10000
N_EDGES = 320000

NC = 2
NS = 16
NW = NC * NS
E_PER_TILE = N_EDGES // NW
CHUNK = 80
NCHUNKS = E_PER_TILE // CHUNK
SB = 5
ROWS_PER_TILE = N_NODES // NS
LANES = 16


def _sc_body(x_hbm, ei_hbm, ew_hbm, z128_hbm, z1_hbm,
             agg_out, sd_out,
             src_v, dst_v, ew_v, rows_v, s_part, d_part, acc_sh, gsems, ssems):
  c = lax.axis_index("c")
  s = lax.axis_index("s")
  wid = c * NS + s
  ebase = wid * E_PER_TILE

  rbase = s * ROWS_PER_TILE
  pltpu.sync_copy(z128_hbm.at[pl.ds(rbase, ROWS_PER_TILE)],
                  acc_sh.at[pl.ds(rbase, ROWS_PER_TILE)])
  pltpu.sync_copy(z1_hbm, s_part)
  pltpu.sync_copy(z1_hbm, d_part)
  plsc.subcore_barrier()

  ones16 = jnp.ones((LANES,), jnp.float32)
  cbase = wid * NCHUNKS

  def sb_body(i, carry):
    pltpu.sync_copy(ei_hbm.at[0, pl.ds(cbase + i * SB, SB)], src_v)
    pltpu.sync_copy(ei_hbm.at[1, pl.ds(cbase + i * SB, SB)], dst_v)
    pltpu.sync_copy(ew_hbm.at[pl.ds(cbase + i * SB, SB)], ew_v)
    sdesc = [None, None]
    for k in range(SB):
      b = k % 2
      if sdesc[b] is not None:
        sdesc[b].wait()
      gd = pltpu.async_copy(x_hbm.at[src_v.at[k]], rows_v.at[b], gsems.at[b])
      for g in range(CHUNK // LANES):
        idx = dst_v[k, pl.ds(g * LANES, LANES)]
        plsc.addupdate_scatter(s_part, [idx], ew_v[k, pl.ds(g * LANES, LANES)])
        plsc.addupdate_scatter(d_part, [idx], ones16)
      gd.wait()
      sdesc[b] = pltpu.async_copy(rows_v.at[b], acc_sh.at[dst_v.at[k]],
                                  ssems.at[b], add=True)
    sdesc[0].wait()
    sdesc[1].wait()
    return carry

  lax.fori_loop(0, NCHUNKS // SB, sb_body, 0)
  plsc.subcore_barrier()

  pltpu.sync_copy(acc_sh.at[pl.ds(rbase, ROWS_PER_TILE)],
                  agg_out.at[c, pl.ds(rbase, ROWS_PER_TILE)])
  pltpu.sync_copy(s_part, sd_out.at[wid])
  pltpu.sync_copy(d_part, sd_out.at[NW + wid])


_sc_aggregate = pl.kernel(
    _sc_body,
    out_type=(
        jax.ShapeDtypeStruct((NC, N_NODES, HIDDEN), jnp.float32),
        jax.ShapeDtypeStruct((2 * NW, N_NODES), jnp.float32),
    ),
    mesh=plsc.VectorSubcoreMesh(core_axis_name="c", subcore_axis_name="s",
                                num_cores=NC, num_subcores=NS),
    scratch_types=[
        pltpu.VMEM((SB, CHUNK), jnp.int32),
        pltpu.VMEM((SB, CHUNK), jnp.int32),
        pltpu.VMEM((SB, CHUNK), jnp.float32),
        pltpu.VMEM((2, CHUNK, HIDDEN), jnp.float32),
        pltpu.VMEM((N_NODES,), jnp.float32),
        pltpu.VMEM((N_NODES,), jnp.float32),
        pltpu.VMEM_SHARED((N_NODES, HIDDEN), jnp.float32),
        pltpu.SemaphoreType.DMA((2,)),
        pltpu.SemaphoreType.DMA((2,)),
    ],
    compiler_params=pltpu.CompilerParams(use_tc_tiling_on_sc=False,
                                         needs_layout_passes=False),
)


ROW_BLK = 1024


def _mlp_body(p0, p1, sdp, sdm, x, W1, b1, W2, b2, o):
  corr = lax.dot_general(sdp[...], sdm[...], (((0,), (0,)), ((), ())),
                         precision=lax.Precision.HIGHEST,
                         preferred_element_type=jnp.float32)
  pre = p0[...][0] + p1[...][0] + x[...] + corr
  h = jnp.maximum(
      jnp.dot(pre, W1[...], preferred_element_type=jnp.float32) + b1[...], 0.0)
  o[...] = jnp.dot(h, W2[...], preferred_element_type=jnp.float32) + b2[...]


def _mlp_call(agg, sdp, sdm, x, W1, b1, W2, b2):
  nblk = (N_NODES + ROW_BLK - 1) // ROW_BLK
  row = lambda i: (i, 0)
  fix = lambda i: (0, 0)
  return pl.pallas_call(
      _mlp_body,
      grid=(nblk,),
      in_specs=[
          pl.BlockSpec((1, ROW_BLK, HIDDEN), lambda i: (0, i, 0)),
          pl.BlockSpec((1, ROW_BLK, HIDDEN), lambda i: (1, i, 0)),
          pl.BlockSpec((2 * NW, ROW_BLK), lambda i: (0, i)),
          pl.BlockSpec((2 * NW, HIDDEN), fix),
          pl.BlockSpec((ROW_BLK, HIDDEN), row),
          pl.BlockSpec((HIDDEN, HIDDEN), fix),
          pl.BlockSpec((1, HIDDEN), fix),
          pl.BlockSpec((HIDDEN, HIDDEN), fix),
          pl.BlockSpec((1, HIDDEN), fix),
      ],
      out_specs=pl.BlockSpec((ROW_BLK, HIDDEN), row),
      out_shape=jax.ShapeDtypeStruct((N_NODES, HIDDEN), jnp.float32),
  )(agg, agg, sdp, sdm, x, W1, b1, W2, b2)


def kernel(x, edge_index, edge_weight, We, be, W1, b1, W2, b2):
  ei = edge_index.astype(jnp.int32).reshape(2, N_EDGES // CHUNK, CHUNK)
  ew = edge_weight.astype(jnp.float32).reshape(N_EDGES // CHUNK, CHUNK)
  z128 = jnp.zeros((N_NODES, HIDDEN), jnp.float32)
  z1 = jnp.zeros((N_NODES,), jnp.float32)
  sdm = jnp.concatenate([jnp.broadcast_to(We.reshape(1, HIDDEN), (NW, HIDDEN)),
                         jnp.broadcast_to(be.reshape(1, HIDDEN), (NW, HIDDEN))])
  agg, sdp = _sc_aggregate(x, ei, ew, z128, z1)
  return _mlp_call(agg, sdp, sdm, x, W1, b1.reshape(1, HIDDEN),
                   W2, b2.reshape(1, HIDDEN))

# --- scband reference (transcript-rebuilt; emitter-appended) ---
"""Pipeline reference for scband-simplified-gineconv-53077205844582 (READ-ONLY COPY).

The authoritative reference and input builder live on the scoring server;
editing this copy changes nothing except your own understanding.
"""

import jax, jax.numpy as jnp
import numpy as np

HIDDEN = 128
N_NODES = 10000
N_EDGES = 320000
EPS = 0.0


def setup_inputs(seed: int = 0) -> dict:
    key = jax.random.key(seed)
    ks = jax.random.split(key, 10)
    x = jax.random.normal(ks[0], (N_NODES, HIDDEN), dtype=jnp.float32)
    edge_index = jax.random.randint(ks[1], (2, N_EDGES), 0, N_NODES, dtype=jnp.int64)
    edge_weight = jax.random.uniform(ks[2], (N_EDGES,), dtype=jnp.float32)
    # edge_encoder: Linear(1, HIDDEN)
    lim_e = 1.0 / np.sqrt(1.0)
    We = jax.random.uniform(ks[3], (1, HIDDEN), minval=-lim_e, maxval=lim_e, dtype=jnp.float32)
    be = jax.random.uniform(ks[4], (HIDDEN,), minval=-lim_e, maxval=lim_e, dtype=jnp.float32)
    # update_mlp: Linear(HIDDEN, HIDDEN) -> ReLU -> Linear(HIDDEN, HIDDEN)
    lim = 1.0 / np.sqrt(HIDDEN)
    W1 = jax.random.uniform(ks[5], (HIDDEN, HIDDEN), minval=-lim, maxval=lim, dtype=jnp.float32)
    b1 = jax.random.uniform(ks[6], (HIDDEN,), minval=-lim, maxval=lim, dtype=jnp.float32)
    W2 = jax.random.uniform(ks[7], (HIDDEN, HIDDEN), minval=-lim, maxval=lim, dtype=jnp.float32)
    b2 = jax.random.uniform(ks[8], (HIDDEN,), minval=-lim, maxval=lim, dtype=jnp.float32)
    return {"x": x, "edge_index": edge_index, "edge_weight": edge_weight,
            "We": We, "be": be, "W1": W1, "b1": b1, "W2": W2, "b2": b2}


def reference(x, edge_index, edge_weight, We, be, W1, b1, W2, b2):
    src_idx = edge_index[0]
    dst_idx = edge_index[1]
    # edge_encoder(edge_weight.unsqueeze(-1))
    edge_attr = edge_weight[:, None] @ We + be  # (E, HIDDEN)
    # gather src node features and add edge attr
    src_features = jnp.take(x, src_idx, axis=0) + edge_attr
    # scatter-add into destination nodes
    out = jnp.zeros_like(x).at[dst_idx].add(src_features)
    out = out + (1.0 + EPS) * x
    # update_mlp
    h = jax.nn.relu(out @ W1 + b1)
    out = h @ W2 + b2
    return out

if __name__ == "__main__":
    import jax
    _d = setup_inputs()
    print(jax.jit(kernel)(*tuple(_d.values())))

</pallas_src>

<mosaic_0001>
#map = affine_map<(d0, d1) -> (0, 0)>
#map1 = affine_map<(d0, d1) -> (0, 0, 0)>
#map2 = affine_map<(d0, d1) -> (0)>
module attributes {stable_mosaic.version = 14 : i64} {
  func.func @_sc_body(%arg0: i32, %arg1: i32, %arg2: memref<10000x128xf32, #tpu.memory_space<hbm>>, %arg3: memref<2x4000x80xi32, #tpu.memory_space<hbm>>, %arg4: memref<4000x80xf32, #tpu.memory_space<hbm>>, %arg5: memref<10000x128xf32, #tpu.memory_space<hbm>>, %arg6: memref<10000xf32, #tpu.memory_space<hbm>>, %arg7: memref<2x10000x128xf32, #tpu.memory_space<hbm>>, %arg8: memref<64x10000xf32, #tpu.memory_space<hbm>>, %arg9: memref<5x80xi32, #tpu.memory_space<vmem>>, %arg10: memref<5x80xi32, #tpu.memory_space<vmem>>, %arg11: memref<5x80xf32, #tpu.memory_space<vmem>>, %arg12: memref<2x80x128xf32, #tpu.memory_space<vmem>>, %arg13: memref<10000xf32, #tpu.memory_space<vmem>>, %arg14: memref<10000xf32, #tpu.memory_space<vmem>>, %arg15: memref<10000x128xf32, #tpu.memory_space<vmem_shared>>, %arg16: memref<2x!tpu.dma_semaphore, #tpu.memory_space<semaphore_mem>>, %arg17: memref<2x!tpu.dma_semaphore, #tpu.memory_space<semaphore_mem>>) attributes {dimension_semantics = [#tpu.dimension_semantics<core_parallel>, #tpu.dimension_semantics<subcore_parallel>], iteration_bounds = array<i64: 2, 16>, scalar_prefetch = 0 : i64, scratch_operands = 9 : i64, tpu.core_type = #tpu.core_type<sc_vector_subcore>, window_params = [{transform_indices = #map}, {transform_indices = #map1}, {transform_indices = #map}, {transform_indices = #map}, {transform_indices = #map2}, {transform_indices = #map1}, {transform_indices = #map}]} {
    %mul3A = arith.constant 16 : i32
    %mul3A_0 = arith.muli %arg0, %mul3A : i32
    %add3A = arith.addi %mul3A_0, %arg1 : i32
    %mul3A_1 = arith.constant 10000 : i32
    %mul3A_2 = arith.muli %add3A, %mul3A_1 : i32
    %mul3A_3 = arith.constant 625 : i32
    %mul3A_4 = arith.muli %arg1, %mul3A_3 : i32
    "tpu.region"() ({
      %run_scoped3A = tpu.sem_alloc : memref<!tpu.dma_semaphore, #tpu.memory_space<semaphore_mem>>
      %dma_start3A = arith.constant 0 : i32
      %dma_start3A_16 = tpu.memref_slice %arg15[%mul3A_4, %dma_start3A] : memref<10000x128xf32, #tpu.memory_space<vmem_shared>> -> memref<625x128xf32, #tpu.memory_space<vmem_shared>>
      %dma_start3A_17 = arith.constant 0 : i32
      %dma_start3A_18 = tpu.memref_slice %arg5[%mul3A_4, %dma_start3A_17] : memref<10000x128xf32, #tpu.memory_space<hbm>> -> memref<625x128xf32, #tpu.memory_space<hbm>>
      tpu.enqueue_dma source(%dma_start3A_18 : memref<625x128xf32, #tpu.memory_space<hbm>>) target(%dma_start3A_16 : memref<625x128xf32, #tpu.memory_space<vmem_shared>>) target_semaphore(%run_scoped3A : memref<!tpu.dma_semaphore, #tpu.memory_space<semaphore_mem>>)
      %dma_wait3A = arith.constant 0 : i32
      %dma_wait3A_19 = tpu.memref_slice %arg15[%mul3A_4, %dma_wait3A] : memref<10000x128xf32, #tpu.memory_space<vmem_shared>> -> memref<625x128xf32, #tpu.memory_space<vmem_shared>>
      %dma_wait3A_20 = arith.constant 0 : i32
      %dma_wait3A_21 = tpu.memref_slice %arg5[%mul3A_4, %dma_wait3A_20] : memref<10000x128xf32, #tpu.memory_space<hbm>> -> memref<625x128xf32, #tpu.memory_space<hbm>>
      tpu.wait_dma2 semaphore(%run_scoped3A : memref<!tpu.dma_semaphore, #tpu.memory_space<semaphore_mem>>) src(%dma_wait3A_21 : memref<625x128xf32, #tpu.memory_space<hbm>>) dst(%dma_wait3A_19 : memref<625x128xf32, #tpu.memory_space<vmem_shared>>)
      tpu.yield
    }) : () -> ()
    "tpu.region"() ({
      %run_scoped3A = tpu.sem_alloc : memref<!tpu.dma_semaphore, #tpu.memory_space<semaphore_mem>>
      tpu.enqueue_dma source(%arg6 : memref<10000xf32, #tpu.memory_space<hbm>>) target(%arg13 : memref<10000xf32, #tpu.memory_space<vmem>>) target_semaphore(%run_scoped3A : memref<!tpu.dma_semaphore, #tpu.memory_space<semaphore_mem>>)
      tpu.wait_dma2 semaphore(%run_scoped3A : memref<!tpu.dma_semaphore, #tpu.memory_space<semaphore_mem>>) src(%arg6 : memref<10000xf32, #tpu.memory_space<hbm>>) dst(%arg13 : memref<10000xf32, #tpu.memory_space<vmem>>)
      tpu.yield
    }) : () -> ()
    "tpu.region"() ({
      %run_scoped3A = tpu.sem_alloc : memref<!tpu.dma_semaphore, #tpu.memory_space<semaphore_mem>>
      tpu.enqueue_dma source(%arg6 : memref<10000xf32, #tpu.memory_space<hbm>>) target(%arg14 : memref<10000xf32, #tpu.memory_space<vmem>>) target_semaphore(%run_scoped3A : memref<!tpu.dma_semaphore, #tpu.memory_space<semaphore_mem>>)
      tpu.wait_dma2 semaphore(%run_scoped3A : memref<!tpu.dma_semaphore, #tpu.memory_space<semaphore_mem>>) src(%arg6 : memref<10000xf32, #tpu.memory_space<hbm>>) dst(%arg14 : memref<10000xf32, #tpu.memory_space<vmem>>)
      tpu.yield
    }) : () -> ()
    %barrier3A = arith.constant 0 : index
    tpu.barrier barrier_id(%barrier3A)
    %broadcast_in_dim3A = arith.constant 1.000000e+00 : f32
    %broadcast_in_dim3A_5 = vector.broadcast %broadcast_in_dim3A : f32 to vector<16xf32>
    %mul3A_6 = arith.constant 125 : i32
    %mul3A_7 = arith.muli %add3A, %mul3A_6 : i32
    %scan3A = arith.constant 0 : i32
    %scan3A_8 = arith.constant 0 : i32
    %scan3A_9 = arith.constant 25 : i32
    %scan3A_10 = arith.addi %scan3A_8, %scan3A_9 : i32
    %scan3A_11 = arith.constant 1 : i32
    scf.for %scan3A_16 = %scan3A_8 to %scan3A_10 step %scan3A_11  : i32 {
      %mul3A_17 = arith.constant 5 : i32
      %mul3A_18 = arith.muli %scan3A_16, %mul3A_17 : i32
      %add3A_19 = arith.addi %mul3A_7, %mul3A_18 : i32
      %run_scoped3A = arith.constant 0 : i32
      "tpu.region"() ({
        %run_scoped3A_524 = tpu.sem_alloc : memref<!tpu.dma_semaphore, #tpu.memory_space<semaphore_mem>>
        %dma_start3A_525 = arith.constant 0 : i32
        %dma_start3A_526 = tpu.memref_slice %arg3[%run_scoped3A, %add3A_19, %dma_start3A_525] : memref<2x4000x80xi32, #tpu.memory_space<hbm>> -> memref<1x5x80xi32, #tpu.memory_space<hbm>>
        %dma_start3A_527 = tpu.memref_squeeze %dma_start3A_526 : memref<1x5x80xi32, #tpu.memory_space<hbm>> -> memref<5x80xi32, #tpu.memory_space<hbm>>
        %dma_start3A_528 = arith.constant 0 : i32
        %dma_start3A_529 = tpu.memref_slice %arg3[%run_scoped3A, %add3A_19, %dma_start3A_528] : memref<2x4000x80xi32, #tpu.memory_space<hbm>> -> memref<1x5x80xi32, #tpu.memory_space<hbm>>
        %dma_start3A_530 = tpu.memref_squeeze %dma_start3A_529 : memref<1x5x80xi32, #tpu.memory_space<hbm>> -> memref<5x80xi32, #tpu.memory_space<hbm>>
        tpu.enqueue_dma source(%dma_start3A_530 : memref<5x80xi32, #tpu.memory_space<hbm>>) target(%arg9 : memref<5x80xi32, #tpu.memory_space<vmem>>) target_semaphore(%run_scoped3A_524 : memref<!tpu.dma_semaphore, #tpu.memory_space<semaphore_mem>>)
        %dma_wait3A_531 = arith.constant 0 : i32
        %dma_wait3A_532 = tpu.memref_slice %arg3[%run_scoped3A, %add3A_19, %dma_wait3A_531] : memref<2x4000x80xi32, #tpu.memory_space<hbm>> -> memref<1x5x80xi32, #tpu.memory_space<hbm>>
        %dma_wait3A_533 = tpu.memref_squeeze %dma_wait3A_532 : memref<1x5x80xi32, #tpu.memory_space<hbm>> -> memref<5x80xi32, #tpu.memory_space<hbm>>
        %dma_wait3A_534 = arith.constant 0 : i32
        %dma_wait3A_535 = tpu.memref_slice %arg3[%run_scoped3A, %add3A_19, %dma_wait3A_534] : memref<2x4000x80xi32, #tpu.memory_space<hbm>> -> memref<1x5x80xi32, #tpu.memory_space<hbm>>
        %dma_wait3A_536 = tpu.memref_squeeze %dma_wait3A_535 : memref<1x5x80xi32, #tpu.memory_space<hbm>> -> memref<5x80xi32, #tpu.memory_space<hbm>>
        tpu.wait_dma2 semaphore(%run_scoped3A_524 : memref<!tpu.dma_semaphore, #tpu.memory_space<semaphore_mem>>) src(%dma_wait3A_536 : memref<5x80xi32, #tpu.memory_space<hbm>>) dst(%arg9 : memref<5x80xi32, #tpu.memory_space<vmem>>)
        tpu.yield
      }) : () -> ()
      %mul3A_20 = arith.constant 5 : i32
      %mul3A_21 = arith.muli %scan3A_16, %mul3A_20 : i32
      %add3A_22 = arith.addi %mul3A_7, %mul3A_21 : i32
      %run_scoped3A_23 = arith.constant 1 : i32
      "tpu.region"() ({
        %run_scoped3A_524 = tpu.sem_alloc : memref<!tpu.dma_semaphore, #tpu.memory_space<semaphore_mem>>
        %dma_start3A_525 = arith.constant 0 : i32
        %dma_start3A_526 = tpu.memref_slice %arg3[%run_scoped3A_23, %add3A_22, %dma_start3A_525] : memref<2x4000x80xi32, #tpu.memory_space<hbm>> -> memref<1x5x80xi32, #tpu.memory_space<hbm>>
        %dma_start3A_527 = tpu.memref_squeeze %dma_start3A_526 : memref<1x5x80xi32, #tpu.memory_space<hbm>> -> memref<5x80xi32, #tpu.memory_space<hbm>>
        %dma_start3A_528 = arith.constant 0 : i32
        %dma_start3A_529 = tpu.memref_slice %arg3[%run_scoped3A_23, %add3A_22, %dma_start3A_528] : memref<2x4000x80xi32, #tpu.memory_space<hbm>> -> memref<1x5x80xi32, #tpu.memory_space<hbm>>
        %dma_start3A_530 = tpu.memref_squeeze %dma_start3A_529 : memref<1x5x80xi32, #tpu.memory_space<hbm>> -> memref<5x80xi32, #tpu.memory_space<hbm>>
        tpu.enqueue_dma source(%dma_start3A_530 : memref<5x80xi32, #tpu.memory_space<hbm>>) target(%arg10 : memref<5x80xi32, #tpu.memory_space<vmem>>) target_semaphore(%run_scoped3A_524 : memref<!tpu.dma_semaphore, #tpu.memory_space<semaphore_mem>>)
        %dma_wait3A_531 = arith.constant 0 : i32
        %dma_wait3A_532 = tpu.memref_slice %arg3[%run_scoped3A_23, %add3A_22, %dma_wait3A_531] : memref<2x4000x80xi32, #tpu.memory_space<hbm>> -> memref<1x5x80xi32, #tpu.memory_space<hbm>>
        %dma_wait3A_533 = tpu.memref_squeeze %dma_wait3A_532 : memref<1x5x80xi32, #tpu.memory_space<hbm>> -> memref<5x80xi32, #tpu.memory_space<hbm>>
        %dma_wait3A_534 = arith.constant 0 : i32
        %dma_wait3A_535 = tpu.memref_slice %arg3[%run_scoped3A_23, %add3A_22, %dma_wait3A_534] : memref<2x4000x80xi32, #tpu.memory_space<hbm>> -> memref<1x5x80xi32, #tpu.memory_space<hbm>>
        %dma_wait3A_536 = tpu.memref_squeeze %dma_wait3A_535 : memref<1x5x80xi32, #tpu.memory_space<hbm>> -> memref<5x80xi32, #tpu.memory_space<hbm>>
        tpu.wait_dma2 semaphore(%run_scoped3A_524 : memref<!tpu.dma_semaphore, #tpu.memory_space<semaphore_mem>>) src(%dma_wait3A_536 : memref<5x80xi32, #tpu.memory_space<hbm>>) dst(%arg10 : memref<5x80xi32, #tpu.memory_space<vmem>>)
        tpu.yield
      }) : () -> ()
      %mul3A_24 = arith.constant 5 : i32
      %mul3A_25 = arith.muli %scan3A_16, %mul3A_24 : i32
      %add3A_26 = arith.addi %mul3A_7, %mul3A_25 : i32
      "tpu.region"() ({
        %run_scoped3A_524 = tpu.sem_alloc : memref<!tpu.dma_semaphore, #tpu.memory_space<semaphore_mem>>
        %dma_start3A_525 = arith.constant 0 : i32
        %dma_start3A_526 = tpu.memref_slice %arg4[%add3A_26, %dma_start3A_525] : memref<4000x80xf32, #tpu.memory_space<hbm>> -> memref<5x80xf32, #tpu.memory_space<hbm>>
        %dma_start3A_527 = arith.constant 0 : i32
        %dma_start3A_528 = tpu.memref_slice %arg4[%add3A_26, %dma_start3A_527] : memref<4000x80xf32, #tpu.memory_space<hbm>> -> memref<5x80xf32, #tpu.memory_space<hbm>>
        tpu.enqueue_dma source(%dma_start3A_528 : memref<5x80xf32, #tpu.memory_space<hbm>>) target(%arg11 : memref<5x80xf32, #tpu.memory_space<vmem>>) target_semaphore(%run_scoped3A_524 : memref<!tpu.dma_semaphore, #tpu.memory_space<semaphore_mem>>)
        %dma_wait3A_529 = arith.constant 0 : i32
        %dma_wait3A_530 = tpu.memref_slice %arg4[%add3A_26, %dma_wait3A_529] : memref<4000x80xf32, #tpu.memory_space<hbm>> -> memref<5x80xf32, #tpu.memory_space<hbm>>
        %dma_wait3A_531 = arith.constant 0 : i32
        %dma_wait3A_532 = tpu.memref_slice %arg4[%add3A_26, %dma_wait3A_531] : memref<4000x80xf32, #tpu.memory_space<hbm>> -> memref<5x80xf32, #tpu.memory_space<hbm>>
        tpu.wait_dma2 semaphore(%run_scoped3A_524 : memref<!tpu.dma_semaphore, #tpu.memory_space<semaphore_mem>>) src(%dma_wait3A_532 : memref<5x80xf32, #tpu.memory_space<hbm>>) dst(%arg11 : memref<5x80xf32, #tpu.memory_space<vmem>>)
        tpu.yield
      }) : () -> ()
      %dma_start3A = arith.constant 0 : i32
      %dma_start3A_27 = arith.constant 0 : i32
      %dma_start3A_28 = arith.constant 0 : i32
      %dma_start3A_29 = arith.constant 0 : i32
      %dma_start3A_30 = arith.constant 0 : i32
      %dma_start3A_31 = tpu.memref_slice %arg12[%dma_start3A_27, %dma_start3A_29, %dma_start3A_30] : memref<2x80x128xf32, #tpu.memory_space<vmem>> -> memref<1x80x128xf32, #tpu.memory_space<vmem>>
      %dma_start3A_32 = tpu.memref_squeeze %dma_start3A_31 : memref<1x80x128xf32, #tpu.memory_space<vmem>> -> memref<80x128xf32, #tpu.memory_space<vmem>>
      %dma_start3A_33 = arith.constant 0 : i32
      %dma_start3A_34 = tpu.memref_slice %arg9[%dma_start3A, %dma_start3A_33] : memref<5x80xi32, #tpu.memory_space<vmem>> -> memref<1x80xi32, #tpu.memory_space<vmem>>
      %dma_start3A_35 = tpu.memref_squeeze %dma_start3A_34 : memref<1x80xi32, #tpu.memory_space<vmem>> -> memref<80xi32, #tpu.memory_space<vmem>>
      %dma_start3A_36 = arith.constant 0 : i32
      %dma_start3A_37 = arith.constant 0 : i32
      %dma_start3A_38 = tpu.memref_slice %arg2[%dma_start3A_36, %dma_start3A_37] : memref<10000x128xf32, #tpu.memory_space<hbm>> -> memref<10000x128xf32, #tpu.memory_space<hbm>>
      %dma_start3A_39 = tpu.memref_slice %arg16[%dma_start3A_28] : memref<2x!tpu.dma_semaphore, #tpu.memory_space<semaphore_mem>> -> memref<1x!tpu.dma_semaphore, #tpu.memory_space<semaphore_mem>>
      %dma_start3A_40 = tpu.memref_squeeze %dma_start3A_39 : memref<1x!tpu.dma_semaphore, #tpu.memory_space<semaphore_mem>> -> memref<!tpu.dma_semaphore, #tpu.memory_space<semaphore_mem>>
      tpu.enqueue_indirect_dma source(%dma_start3A_38 : memref<10000x128xf32, #tpu.memory_space<hbm>>) target(%dma_start3A_32 : memref<80x128xf32, #tpu.memory_space<vmem>>) offsets(%dma_start3A_35 : memref<80xi32, #tpu.memory_space<vmem>>) semaphore(%dma_start3A_40 : memref<!tpu.dma_semaphore, #tpu.memory_space<semaphore_mem>>)
      %get3A = arith.constant 0 : i32
      %get3A_41 = arith.index_cast %get3A : i32 to index
      %get3A_42 = arith.constant 0 : index
      %get3A_43 = tpu.vector_load %arg10[%get3A_41, %get3A_42] {strides = array<i32>} : memref<5x80xi32, #tpu.memory_space<vmem>>, vector<16xi32>,
      %get3A_44 = arith.constant 0 : i32
      %get3A_45 = arith.index_cast %get3A_44 : i32 to index
      %get3A_46 = arith.constant 0 : index
      %get3A_47 = tpu.vector_load %arg11[%get3A_45, %get3A_46] {strides = array<i32>} : memref<5x80xf32, #tpu.memory_space<vmem>>, vector<16xf32>,
      tpu.vector_store_idx %arg13[%get3A_43], %get3A_47 {add = true} : memref<10000xf32, #tpu.memory_space<vmem>>[vector<16xi32>], vector<16xf32>,
      tpu.vector_store_idx %arg14[%get3A_43], %broadcast_in_dim3A_5 {add = true} : memref<10000xf32, #tpu.memory_space<vmem>>[vector<16xi32>], vector<16xf32>,
      %get3A_48 = arith.constant 0 : i32
      %get3A_49 = arith.index_cast %get3A_48 : i32 to index
      %get3A_50 = arith.constant 16 : index
      %get3A_51 = tpu.vector_load %arg10[%get3A_49, %get3A_50] {strides = array<i32>} : memref<5x80xi32, #tpu.memory_space<vmem>>, vector<16xi32>,
      %get3A_52 = arith.constant 0 : i32
      %get3A_53 = arith.index_cast %get3A_52 : i32 to index
      %get3A_54 = arith.constant 16 : index
      %get3A_55 = tpu.vector_load %arg11[%get3A_53, %get3A_54] {strides = array<i32>} : memref<5x80xf32, #tpu.memory_space<vmem>>, vector<16xf32>,
      tpu.vector_store_idx %arg13[%get3A_51], %get3A_55 {add = true} : memref<10000xf32, #tpu.memory_space<vmem>>[vector<16xi32>], vector<16xf32>,
      tpu.vector_store_idx %arg14[%get3A_51], %broadcast_in_dim3A_5 {add = true} : memref<10000xf32, #tpu.memory_space<vmem>>[vector<16xi32>], vector<16xf32>,
      %get3A_56 = arith.constant 0 : i32
      %get3A_57 = arith.index_cast %get3A_56 : i32 to index
      %get3A_58 = arith.constant 32 : index
      %get3A_59 = tpu.vector_load %arg10[%get3A_57, %get3A_58] {strides = array<i32>} : memref<5x80xi32, #tpu.memory_space<vmem>>, vector<16xi32>,
      %get3A_60 = arith.constant 0 : i32
      %get3A_61 = arith.index_cast %get3A_60 : i32 to index
      %get3A_62 = arith.constant 32 : index
      %get3A_63 = tpu.vector_load %arg11[%get3A_61, %get3A_62] {strides = array<i32>} : memref<5x80xf32, #tpu.memory_space<vmem>>, vector<16xf32>,
      tpu.vector_store_idx %arg13[%get3A_59], %get3A_63 {add = true} : memref<10000xf32, #tpu.memory_space<vmem>>[vector<16xi32>], vector<16xf32>,
      tpu.vector_store_idx %arg14[%get3A_59], %broadcast_in_dim3A_5 {add = true} : memref<10000xf32, #tpu.memory_space<vmem>>[vector<16xi32>], vector<16xf32>,
      %get3A_64 = arith.constant 0 : i32
      %get3A_65 = arith.index_cast %get3A_64 : i32 to index
      %get3A_66 = arith.constant 48 : index
      %get3A_67 = tpu.vector_load %arg10[%get3A_65, %get3A_66] {strides = array<i32>} : memref<5x80xi32, #tpu.memory_space<vmem>>, vector<16xi32>,
      %get3A_68 = arith.constant 0 : i32
      %get3A_69 = arith.index_cast %get3A_68 : i32 to index
      %get3A_70 = arith.constant 48 : index
      %get3A_71 = tpu.vector_load %arg11[%get3A_69, %get3A_70] {strides = array<i32>} : memref<5x80xf32, #tpu.memory_space<vmem>>, vector<16xf32>,
      tpu.vector_store_idx %arg13[%get3A_67], %get3A_71 {add = true} : memref<10000xf32, #tpu.memory_space<vmem>>[vector<16xi32>], vector<16xf32>,
      tpu.vector_store_idx %arg14[%get3A_67], %broadcast_in_dim3A_5 {add = true} : memref<10000xf32, #tpu.memory_space<vmem>>[vector<16xi32>], vector<16xf32>,
      %get3A_72 = arith.constant 0 : i32
      %get3A_73 = arith.index_cast %get3A_72 : i32 to index
      %get3A_74 = arith.constant 64 : index
      %get3A_75 = tpu.vector_load %arg10[%get3A_73, %get3A_74] {strides = array<i32>} : memref<5x80xi32, #tpu.memory_space<vmem>>, vector<16xi32>,
      %get3A_76 = arith.constant 0 : i32
      %get3A_77 = arith.index_cast %get3A_76 : i32 to index
      %get3A_78 = arith.constant 64 : index
      %get3A_79 = tpu.vector_load %arg11[%get3A_77, %get3A_78] {strides = array<i32>} : memref<5x80xf32, #tpu.memory_space<vmem>>, vector<16xf32>,
      tpu.vector_store_idx %arg13[%get3A_75], %get3A_79 {add = true} : memref<10000xf32, #tpu.memory_space<vmem>>[vector<16xi32>], vector<16xf32>,
      tpu.vector_store_idx %arg14[%get3A_75], %broadcast_in_dim3A_5 {add = true} : memref<10000xf32, #tpu.memory_space<vmem>>[vector<16xi32>], vector<16xf32>,
      %dma_wait3A = arith.constant 0 : i32
      %dma_wait3A_80 = arith.constant 0 : i32
      %dma_wait3A_81 = arith.constant 0 : i32
      %dma_wait3A_82 = arith.constant 0 : i32
      %dma_wait3A_83 = arith.constant 0 : i32
      %dma_wait3A_84 = tpu.memref_slice %arg12[%dma_wait3A_80, %dma_wait3A_82, %dma_wait3A_83] : memref<2x80x128xf32, #tpu.memory_space<vmem>> -> memref<1x80x128xf32, #tpu.memory_space<vmem>>
      %dma_wait3A_85 = tpu.memref_squeeze %dma_wait3A_84 : memref<1x80x128xf32, #tpu.memory_space<vmem>> -> memref<80x128xf32, #tpu.memory_space<vmem>>
      %dma_wait3A_86 = arith.constant 0 : i32
      %dma_wait3A_87 = tpu.memref_slice %arg9[%dma_wait3A, %dma_wait3A_86] : memref<5x80xi32, #tpu.memory_space<vmem>> -> memref<1x80xi32, #tpu.memory_space<vmem>>
      %dma_wait3A_88 = tpu.memref_squeeze %dma_wait3A_87 : memref<1x80xi32, #tpu.memory_space<vmem>> -> memref<80xi32, #tpu.memory_space<vmem>>
      %dma_wait3A_89 = arith.constant 0 : i32
      %dma_wait3A_90 = arith.constant 0 : i32
      %dma_wait3A_91 = tpu.memref_slice %arg2[%dma_wait3A_89, %dma_wait3A_90] : memref<10000x128xf32, #tpu.memory_space<hbm>> -> memref<10000x128xf32, #tpu.memory_space<hbm>>
      %dma_wait3A_92 = tpu.memref_slice %arg16[%dma_wait3A_81] : memref<2x!tpu.dma_semaphore, #tpu.memory_space<semaphore_mem>> -> memref<1x!tpu.dma_semaphore, #tpu.memory_space<semaphore_mem>>
      %dma_wait3A_93 = tpu.memref_squeeze %dma_wait3A_92 : memref<1x!tpu.dma_semaphore, #tpu.memory_space<semaphore_mem>> -> memref<!tpu.dma_semaphore, #tpu.memory_space<semaphore_mem>>
      tpu.wait_indirect_dma semaphore(%dma_wait3A_93 : memref<!tpu.dma_semaphore, #tpu.memory_space<semaphore_mem>>) src(%dma_wait3A_91 : memref<10000x128xf32, #tpu.memory_space<hbm>>) dst(%dma_wait3A_85 : memref<80x128xf32, #tpu.memory_space<vmem>>)
      %dma_start3A_94 = arith.constant 0 : i32
      %dma_start3A_95 = arith.constant 0 : i32
      %dma_start3A_96 = arith.constant 0 : i32
      %dma_start3A_97 = arith.constant 0 : i32
      %dma_start3A_98 = arith.constant 0 : i32
      %dma_start3A_99 = tpu.memref_slice %arg12[%dma_start3A_94, %dma_start3A_97, %dma_start3A_98] : memref<2x80x128xf32, #tpu.memory_space<vmem>> -> memref<1x80x128xf32, #tpu.memory_space<vmem>>
      %dma_start3A_100 = tpu.memref_squeeze %dma_start3A_99 : memref<1x80x128xf32, #tpu.memory_space<vmem>> -> memref<80x128xf32, #tpu.memory_space<vmem>>
      %dma_start3A_101 = arith.constant 0 : i32
      %dma_start3A_102 = tpu.memref_slice %arg10[%dma_start3A_95, %dma_start3A_101] : memref<5x80xi32, #tpu.memory_space<vmem>> -> memref<1x80xi32, #tpu.memory_space<vmem>>
      %dma_start3A_103 = tpu.memref_squeeze %dma_start3A_102 : memref<1x80xi32, #tpu.memory_space<vmem>> -> memref<80xi32, #tpu.memory_space<vmem>>
      %dma_start3A_104 = arith.constant 0 : i32
      %dma_start3A_105 = arith.constant 0 : i32
      %dma_start3A_106 = tpu.memref_slice %arg15[%dma_start3A_104, %dma_start3A_105] : memref<10000x128xf32, #tpu.memory_space<vmem_shared>> -> memref<10000x128xf32, #tpu.memory_space<vmem_shared>>
      %dma_start3A_107 = tpu.memref_slice %arg17[%dma_start3A_96] : memref<2x!tpu.dma_semaphore, #tpu.memory_space<semaphore_mem>> -> memref<1x!tpu.dma_semaphore, #tpu.memory_space<semaphore_mem>>
      %dma_start3A_108 = tpu.memref_squeeze %dma_start3A_107 : memref<1x!tpu.dma_semaphore, #tpu.memory_space<semaphore_mem>> -> memref<!tpu.dma_semaphore, #tpu.memory_space<semaphore_mem>>
      tpu.enqueue_indirect_dma source(%dma_start3A_100 : memref<80x128xf32, #tpu.memory_space<vmem>>) target(%dma_start3A_106 : memref<10000x128xf32, #tpu.memory_space<vmem_shared>>) offsets(%dma_start3A_103 : memref<80xi32, #tpu.memory_space<vmem>>) semaphore(%dma_start3A_108 : memref<!tpu.dma_semaphore, #tpu.memory_space<semaphore_mem>>) {add = true}
      %dma_start3A_109 = arith.constant 1 : i32
      %dma_start3A_110 = arith.constant 1 : i32
      %dma_start3A_111 = arith.constant 1 : i32
      %dma_start3A_112 = arith.constant 0 : i32
      %dma_start3A_113 = arith.constant 0 : i32
      %dma_start3A_114 = tpu.memref_slice %arg12[%dma_start3A_110, %dma_start3A_112, %dma_start3A_113] : memref<2x80x128xf32, #tpu.memory_space<vmem>> -> memref<1x80x128xf32, #tpu.memory_space<vmem>>
      %dma_start3A_115 = tpu.memref_squeeze %dma_start3A_114 : memref<1x80x128xf32, #tpu.memory_space<vmem>> -> memref<80x128xf32, #tpu.memory_space<vmem>>
      %dma_start3A_116 = arith.constant 0 : i32
      %dma_start3A_117 = tpu.memref_slice %arg9[%dma_start3A_109, %dma_start3A_116] : memref<5x80xi32, #tpu.memory_space<vmem>> -> memref<1x80xi32, #tpu.memory_space<vmem>>
      %dma_start3A_118 = tpu.memref_squeeze %dma_start3A_117 : memref<1x80xi32, #tpu.memory_space<vmem>> -> memref<80xi32, #tpu.memory_space<vmem>>
      %dma_start3A_119 = arith.constant 0 : i32
      %dma_start3A_120 = arith.constant 0 : i32
      %dma_start3A_121 = tpu.memref_slice %arg2[%dma_start3A_119, %dma_start3A_120] : memref<10000x128xf32, #tpu.memory_space<hbm>> -> memref<10000x128xf32, #tpu.memory_space<hbm>>
      %dma_start3A_122 = tpu.memref_slice %arg16[%dma_start3A_111] : memref<2x!tpu.dma_semaphore, #tpu.memory_space<semaphore_mem>> -> memref<1x!tpu.dma_semaphore, #tpu.memory_space<semaphore_mem>>
      %dma_start3A_123 = tpu.memref_squeeze %dma_start3A_122 : memref<1x!tpu.dma_semaphore, #tpu.memory_space<semaphore_mem>> -> memref<!tpu.dma_semaphore, #tpu.memory_space<semaphore_mem>>
      tpu.enqueue_indirect_dma source(%dma_start3A_121 : memref<10000x128xf32, #tpu.memory_space<hbm>>) target(%dma_start3A_115 : memref<80x128xf32, #tpu.memory_space<vmem>>) offsets(%dma_start3A_118 : memref<80xi32, #tpu.memory_space<vmem>>) semaphore(%dma_start3A_123 : memref<!tpu.dma_semaphore, #tpu.memory_space<semaphore_mem>>)
      %get3A_124 = arith.constant 1 : i32
      %get3A_125 = arith.index_cast %get3A_124 : i32 to index
      %get3A_126 = arith.constant 0 : index
      %get3A_127 = tpu.vector_load %arg10[%get3A_125, %get3A_126] {strides = array<i32>} : memref<5x80xi32, #tpu.memory_space<vmem>>, vector<16xi32>,
      %get3A_128 = arith.constant 1 : i32
      %get3A_129 = arith.index_cast %get3A_128 : i32 to index
      %get3A_130 = arith.constant 0 : index
      %get3A_131 = tpu.vector_load %arg11[%get3A_129, %get3A_130] {strides = array<i32>} : memref<5x80xf32, #tpu.memory_space<vmem>>, vector<16xf32>,
      tpu.vector_store_idx %arg13[%get3A_127], %get3A_131 {add = true} : memref<10000xf32, #tpu.memory_space<vmem>>[vector<16xi32>], vector<16xf32>,
      tpu.vector_store_idx %arg14[%get3A_127], %broadcast_in_dim3A_5 {add = true} : memref<10000xf32, #tpu.memory_space<vmem>>[vector<16xi32>], vector<16xf32>,
      %get3A_132 = arith.constant 1 : i32
      %get3A_133 = arith.index_cast %get3A_132 : i32 to index
      %get3A_134 = arith.constant 16 : index
      %get3A_135 = tpu.vector_load %arg10[%get3A_133, %get3A_134] {strides = array<i32>} : memref<5x80xi32, #tpu.memory_space<vmem>>, vector<16xi32>,
      %get3A_136 = arith.constant 1 : i32
      %get3A_137 = arith.index_cast %get3A_136 : i32 to index
      %get3A_138 = arith.constant 16 : index
      %get3A_139 = tpu.vector_load %arg11[%get3A_137, %get3A_138] {strides = array<i32>} : memref<5x80xf32, #tpu.memory_space<vmem>>, vector<16xf32>,
      tpu.vector_store_idx %arg13[%get3A_135], %get3A_139 {add = true} : memref<10000xf32, #tpu.memory_space<vmem>>[vector<16xi32>], vector<16xf32>,
      tpu.vector_store_idx %arg14[%get3A_135], %broadcast_in_dim3A_5 {add = true} : memref<10000xf32, #tpu.memory_space<vmem>>[vector<16xi32>], vector<16xf32>,
      %get3A_140 = arith.constant 1 : i32
      %get3A_141 = arith.index_cast %get3A_140 : i32 to index
      %get3A_142 = arith.constant 32 : index
      %get3A_143 = tpu.vector_load %arg10[%get3A_141, %get3A_142] {strides = array<i32>} : memref<5x80xi32, #tpu.memory_space<vmem>>, vector<16xi32>,
      %get3A_144 = arith.constant 1 : i32
      %get3A_145 = arith.index_cast %get3A_144 : i32 to index
      %get3A_146 = arith.constant 32 : index
      %get3A_147 = tpu.vector_load %arg11[%get3A_145, %get3A_146] {strides = array<i32>} : memref<5x80xf32, #tpu.memory_space<vmem>>, vector<16xf32>,
      tpu.vector_store_idx %arg13[%get3A_143], %get3A_147 {add = true} : memref<10000xf32, #tpu.memory_space<vmem>>[vector<16xi32>], vector<16xf32>,
      tpu.vector_store_idx %arg14[%get3A_143], %broadcast_in_dim3A_5 {add = true} : memref<10000xf32, #tpu.memory_space<vmem>>[vector<16xi32>], vector<16xf32>,
      %get3A_148 = arith.constant 1 : i32
      %get3A_149 = arith.index_cast %get3A_148 : i32 to index
      %get3A_150 = arith.constant 48 : index
      %get3A_151 = tpu.vector_load %arg10[%get3A_149, %get3A_150] {strides = array<i32>} : memref<5x80xi32, #tpu.memory_space<vmem>>, vector<16xi32>,
      %get3A_152 = arith.constant 1 : i32
      %get3A_153 = arith.index_cast %get3A_152 : i32 to index
      %get3A_154 = arith.constant 48 : index
      %get3A_155 = tpu.vector_load %arg11[%get3A_153, %get3A_154] {strides = array<i32>} : memref<5x80xf32, #tpu.memory_space<vmem>>, vector<16xf32>,
      tpu.vector_store_idx %arg13[%get3A_151], %get3A_155 {add = true} : memref<10000xf32, #tpu.memory_space<vmem>>[vector<16xi32>], vector<16xf32>,
      tpu.vector_store_idx %arg14[%get3A_151], %broadcast_in_dim3A_5 {add = true} : memref<10000xf32, #tpu.memory_space<vmem>>[vector<16xi32>], vector<16xf32>,
      %get3A_156 = arith.constant 1 : i32
      %get3A_157 = arith.index_cast %get3A_156 : i32 to index
      %get3A_158 = arith.constant 64 : index
      %get3A_159 = tpu.vector_load %arg10[%get3A_157, %get3A_158] {strides = array<i32>} : memref<5x80xi32, #tpu.memory_space<vmem>>, vector<16xi32>,
      %get3A_160 = arith.constant 1 : i32
      %get3A_161 = arith.index_cast %get3A_160 : i32 to index
      %get3A_162 = arith.constant 64 : index
      %get3A_163 = tpu.vector_load %arg11[%get3A_161, %get3A_162] {strides = array<i32>} : memref<5x80xf32, #tpu.memory_space<vmem>>, vector<16xf32>,
      tpu.vector_store_idx %arg13[%get3A_159], %get3A_163 {add = true} : memref<10000xf32, #tpu.memory_space<vmem>>[vector<16xi32>], vector<16xf32>,
      tpu.vector_store_idx %arg14[%get3A_159], %broadcast_in_dim3A_5 {add = true} : memref<10000xf32, #tpu.memory_space<vmem>>[vector<16xi32>], vector<16xf32>,
      %dma_wait3A_164 = arith.constant 1 : i32
      %dma_wait3A_165 = arith.constant 1 : i32
      %dma_wait3A_166 = arith.constant 1 : i32
      %dma_wait3A_167 = arith.constant 0 : i32
      %dma_wait3A_168 = arith.constant 0 : i32
      %dma_wait3A_169 = tpu.memref_slice %arg12[%dma_wait3A_165, %dma_wait3A_167, %dma_wait3A_168] : memref<2x80x128xf32, #tpu.memory_space<vmem>> -> memref<1x80x128xf32, #tpu.memory_space<vmem>>
      %dma_wait3A_170 = tpu.memref_squeeze %dma_wait3A_169 : memref<1x80x128xf32, #tpu.memory_space<vmem>> -> memref<80x128xf32, #tpu.memory_space<vmem>>
      %dma_wait3A_171 = arith.constant 0 : i32
      %dma_wait3A_172 = tpu.memref_slice %arg9[%dma_wait3A_164, %dma_wait3A_171] : memref<5x80xi32, #tpu.memory_space<vmem>> -> memref<1x80xi32, #tpu.memory_space<vmem>>
      %dma_wait3A_173 = tpu.memref_squeeze %dma_wait3A_172 : memref<1x80xi32, #tpu.memory_space<vmem>> -> memref<80xi32, #tpu.memory_space<vmem>>
      %dma_wait3A_174 = arith.constant 0 : i32
      %dma_wait3A_175 = arith.constant 0 : i32
      %dma_wait3A_176 = tpu.memref_slice %arg2[%dma_wait3A_174, %dma_wait3A_175] : memref<10000x128xf32, #tpu.memory_space<hbm>> -> memref<10000x128xf32, #tpu.memory_space<hbm>>
      %dma_wait3A_177 = tpu.memref_slice %arg16[%dma_wait3A_166] : memref<2x!tpu.dma_semaphore, #tpu.memory_space<semaphore_mem>> -> memref<1x!tpu.dma_semaphore, #tpu.memory_space<semaphore_mem>>
      %dma_wait3A_178 = tpu.memref_squeeze %dma_wait3A_177 : memref<1x!tpu.dma_semaphore, #tpu.memory_space<semaphore_mem>> -> memref<!tpu.dma_semaphore, #tpu.memory_space<semaphore_mem>>
      tpu.wait_indirect_dma semaphore(%dma_wait3A_178 : memref<!tpu.dma_semaphore, #tpu.memory_space<semaphore_mem>>) src(%dma_wait3A_176 : memref<10000x128xf32, #tpu.memory_space<hbm>>) dst(%dma_wait3A_170 : memref<80x128xf32, #tpu.memory_space<vmem>>)
      %dma_start3A_179 = arith.constant 1 : i32
      %dma_start3A_180 = arith.constant 1 : i32
      %dma_start3A_181 = arith.constant 1 : i32
      %dma_start3A_182 = arith.constant 0 : i32
      %dma_start3A_183 = arith.constant 0 : i32
      %dma_start3A_184 = tpu.memref_slice %arg12[%dma_start3A_179, %dma_start3A_182, %dma_start3A_183] : memref<2x80x128xf32, #tpu.memory_space<vmem>> -> memref<1x80x128xf32, #tpu.memory_space<vmem>>
      %dma_start3A_185 = tpu.memref_squeeze %dma_start3A_184 : memref<1x80x128xf32, #tpu.memory_space<vmem>> -> memref<80x128xf32, #tpu.memory_space<vmem>>
      %dma_start3A_186 = arith.constant 0 : i32
      %dma_start3A_187 = tpu.memref_slice %arg10[%dma_start3A_180, %dma_start3A_186] : memref<5x80xi32, #tpu.memory_space<vmem>> -> memref<1x80xi32, #tpu.memory_space<vmem>>
      %dma_start3A_188 = tpu.memref_squeeze %dma_start3A_187 : memref<1x80xi32, #tpu.memory_space<vmem>> -> memref<80xi32, #tpu.memory_space<vmem>>
      %dma_start3A_189 = arith.constant 0 : i32
      %dma_start3A_190 = arith.constant 0 : i32
      %dma_start3A_191 = tpu.memref_slice %arg15[%dma_start3A_189, %dma_start3A_190] : memref<10000x128xf32, #tpu.memory_space<vmem_shared>> -> memref<10000x128xf32, #tpu.memory_space<vmem_shared>>
      %dma_start3A_192 = tpu.memref_slice %arg17[%dma_start3A_181] : memref<2x!tpu.dma_semaphore, #tpu.memory_space<semaphore_mem>> -> memref<1x!tpu.dma_semaphore, #tpu.memory_space<semaphore_mem>>
      %dma_start3A_193 = tpu.memref_squeeze %dma_start3A_192 : memref<1x!tpu.dma_semaphore, #tpu.memory_space<semaphore_mem>> -> memref<!tpu.dma_semaphore, #tpu.memory_space<semaphore_mem>>
      tpu.enqueue_indirect_dma source(%dma_start3A_185 : memref<80x128xf32, #tpu.memory_space<vmem>>) target(%dma_start3A_191 : memref<10000x128xf32, #tpu.memory_space<vmem_shared>>) offsets(%dma_start3A_188 : memref<80xi32, #tpu.memory_space<vmem>>) semaphore(%dma_start3A_193 : memref<!tpu.dma_semaphore, #tpu.memory_space<semaphore_mem>>) {add = true}
      %dma_wait3A_194 = arith.constant 0 : i32
      %dma_wait3A_195 = arith.constant 0 : i32
      %dma_wait3A_196 = arith.constant 0 : i32
      %dma_wait3A_197 = arith.constant 0 : i32
      %dma_wait3A_198 = arith.constant 0 : i32
      %dma_wait3A_199 = tpu.memref_slice %arg12[%dma_wait3A_194, %dma_wait3A_197, %dma_wait3A_198] : memref<2x80x128xf32, #tpu.memory_space<vmem>> -> memref<1x80x128xf32, #tpu.memory_space<vmem>>
      %dma_wait3A_200 = tpu.memref_squeeze %dma_wait3A_199 : memref<1x80x128xf32, #tpu.memory_space<vmem>> -> memref<80x128xf32, #tpu.memory_space<vmem>>
      %dma_wait3A_201 = arith.constant 0 : i32
      %dma_wait3A_202 = tpu.memref_slice %arg10[%dma_wait3A_195, %dma_wait3A_201] : memref<5x80xi32, #tpu.memory_space<vmem>> -> memref<1x80xi32, #tpu.memory_space<vmem>>
      %dma_wait3A_203 = tpu.memref_squeeze %dma_wait3A_202 : memref<1x80xi32, #tpu.memory_space<vmem>> -> memref<80xi32, #tpu.memory_space<vmem>>
      %dma_wait3A_204 = arith.constant 0 : i32
      %dma_wait3A_205 = arith.constant 0 : i32
      %dma_wait3A_206 = tpu.memref_slice %arg15[%dma_wait3A_204, %dma_wait3A_205] : memref<10000x128xf32, #tpu.memory_space<vmem_shared>> -> memref<10000x128xf32, #tpu.memory_space<vmem_shared>>
      %dma_wait3A_207 = tpu.memref_slice %arg17[%dma_wait3A_196] : memref<2x!tpu.dma_semaphore, #tpu.memory_space<semaphore_mem>> -> memref<1x!tpu.dma_semaphore, #tpu.memory_space<semaphore_mem>>
      %dma_wait3A_208 = tpu.memref_squeeze %dma_wait3A_207 : memref<1x!tpu.dma_semaphore, #tpu.memory_space<semaphore_mem>> -> memref<!tpu.dma_semaphore, #tpu.memory_space<semaphore_mem>>
      tpu.wait_indirect_dma semaphore(%dma_wait3A_208 : memref<!tpu.dma_semaphore, #tpu.memory_space<semaphore_mem>>) src(%dma_wait3A_200 : memref<80x128xf32, #tpu.memory_space<vmem>>) dst(%dma_wait3A_206 : memref<10000x128xf32, #tpu.memory_space<vmem_shared>>)
      %dma_start3A_209 = arith.constant 2 : i32
      %dma_start3A_210 = arith.constant 0 : i32
      %dma_start3A_211 = arith.constant 0 : i32
      %dma_start3A_212 = arith.constant 0 : i32
      %dma_start3A_213 = arith.constant 0 : i32
      %dma_start3A_214 = tpu.memref_slice %arg12[%dma_start3A_210, %dma_start3A_212, %dma_start3A_213] : memref<2x80x128xf32, #tpu.memory_space<vmem>> -> memref<1x80x128xf32, #tpu.memory_space<vmem>>
      %dma_start3A_215 = tpu.memref_squeeze %dma_start3A_214 : memref<1x80x128xf32, #tpu.memory_space<vmem>> -> memref<80x128xf32, #tpu.memory_space<vmem>>
      %dma_start3A_216 = arith.constant 0 : i32
      %dma_start3A_217 = tpu.memref_slice %arg9[%dma_start3A_209, %dma_start3A_216] : memref<5x80xi32, #tpu.memory_space<vmem>> -> memref<1x80xi32, #tpu.memory_space<vmem>>
      %dma_start3A_218 = tpu.memref_squeeze %dma_start3A_217 : memref<1x80xi32, #tpu.memory_space<vmem>> -> memref<80xi32, #tpu.memory_space<vmem>>
      %dma_start3A_219 = arith.constant 0 : i32
      %dma_start3A_220 = arith.constant 0 : i32
      %dma_start3A_221 = tpu.memref_slice %arg2[%dma_start3A_219, %dma_start3A_220] : memref<10000x128xf32, #tpu.memory_space<hbm>> -> memref<10000x128xf32, #tpu.memory_space<hbm>>
      %dma_start3A_222 = tpu.memref_slice %arg16[%dma_start3A_211] : memref<2x!tpu.dma_semaphore, #tpu.memory_space<semaphore_mem>> -> memref<1x!tpu.dma_semaphore, #tpu.memory_space<semaphore_mem>>
      %dma_start3A_223 = tpu.memref_squeeze %dma_start3A_222 : memref<1x!tpu.dma_semaphore, #tpu.memory_space<semaphore_mem>> -> memref<!tpu.dma_semaphore, #tpu.memory_space<semaphore_mem>>
      tpu.enqueue_indirect_dma source(%dma_start3A_221 : memref<10000x128xf32, #tpu.memory_space<hbm>>) target(%dma_start3A_215 : memref<80x128xf32, #tpu.memory_space<vmem>>) offsets(%dma_start3A_218 : memref<80xi32, #tpu.memory_space<vmem>>) semaphore(%dma_start3A_223 : memref<!tpu.dma_semaphore, #tpu.memory_space<semaphore_mem>>)
      %get3A_224 = arith.constant 2 : i32
      %get3A_225 = arith.index_cast %get3A_224 : i32 to index
      %get3A_226 = arith.constant 0 : index
      %get3A_227 = tpu.vector_load %arg10[%get3A_225, %get3A_226] {strides = array<i32>} : memref<5x80xi32, #tpu.memory_space<vmem>>, vector<16xi32>,
      %get3A_228 = arith.constant 2 : i32
      %get3A_229 = arith.index_cast %get3A_228 : i32 to index
      %get3A_230 = arith.constant 0 : index
      %get3A_231 = tpu.vector_load %arg11[%get3A_229, %get3A_230] {strides = array<i32>} : memref<5x80xf32, #tpu.memory_space<vmem>>, vector<16xf32>,
      tpu.vector_store_idx %arg13[%get3A_227], %get3A_231 {add = true} : memref<10000xf32, #tpu.memory_space<vmem>>[vector<16xi32>], vector<16xf32>,
      tpu.vector_store_idx %arg14[%get3A_227], %broadcast_in_dim3A_5 {add = true} : memref<10000xf32, #tpu.memory_space<vmem>>[vector<16xi32>], vector<16xf32>,
      %get3A_232 = arith.constant 2 : i32
      %get3A_233 = arith.index_cast %get3A_232 : i32 to index
      %get3A_234 = arith.constant 16 : index
      %get3A_235 = tpu.vector_load %arg10[%get3A_233, %get3A_234] {strides = array<i32>} : memref<5x80xi32, #tpu.memory_space<vmem>>, vector<16xi32>,
      %get3A_236 = arith.constant 2 : i32
      %get3A_237 = arith.index_cast %get3A_236 : i32 to index
      %get3A_238 = arith.constant 16 : index
      %get3A_239 = tpu.vector_load %arg11[%get3A_237, %get3A_238] {strides = array<i32>} : memref<5x80xf32, #tpu.memory_space<vmem>>, vector<16xf32>,
      tpu.vector_store_idx %arg13[%get3A_235], %get3A_239 {add = true} : memref<10000xf32, #tpu.memory_space<vmem>>[vector<16xi32>], vector<16xf32>,
      tpu.vector_store_idx %arg14[%get3A_235], %broadcast_in_dim3A_5 {add = true} : memref<10000xf32, #tpu.memory_space<vmem>>[vector<16xi32>], vector<16xf32>,
      %get3A_240 = arith.constant 2 : i32
      %get3A_241 = arith.index_cast %get3A_240 : i32 to index
      %get3A_242 = arith.constant 32 : index
      %get3A_243 = tpu.vector_load %arg10[%get3A_241, %get3A_242] {strides = array<i32>} : memref<5x80xi32, #tpu.memory_space<vmem>>, vector<16xi32>,
      %get3A_244 = arith.constant 2 : i32
      %get3A_245 = arith.index_cast %get3A_244 : i32 to index
      %get3A_246 = arith.constant 32 : index
      %get3A_247 = tpu.vector_load %arg11[%get3A_245, %get3A_246] {strides = array<i32>} : memref<5x80xf32, #tpu.memory_space<vmem>>, vector<16xf32>,
      tpu.vector_store_idx %arg13[%get3A_243], %get3A_247 {add = true} : memref<10000xf32, #tpu.memory_space<vmem>>[vector<16xi32>], vector<16xf32>,
      tpu.vector_store_idx %arg14[%get3A_243], %broadcast_in_dim3A_5 {add = true} : memref<10000xf32, #tpu.memory_space<vmem>>[vector<16xi32>], vector<16xf32>,
      %get3A_248 = arith.constant 2 : i32
      %get3A_249 = arith.index_cast %get3A_248 : i32 to index
      %get3A_250 = arith.constant 48 : index
      %get3A_251 = tpu.vector_load %arg10[%get3A_249, %get3A_250] {strides = array<i32>} : memref<5x80xi32, #tpu.memory_space<vmem>>, vector<16xi32>,
      %get3A_252 = arith.constant 2 : i32
      %get3A_253 = arith.index_cast %get3A_252 : i32 to index
      %get3A_254 = arith.constant 48 : index
      %get3A_255 = tpu.vector_load %arg11[%get3A_253, %get3A_254] {strides = array<i32>} : memref<5x80xf32, #tpu.memory_space<vmem>>, vector<16xf32>,
      tpu.vector_store_idx %arg13[%get3A_251], %get3A_255 {add = true} : memref<10000xf32, #tpu.memory_space<vmem>>[vector<16xi32>], vector<16xf32>,
      tpu.vector_store_idx %arg14[%get3A_251], %broadcast_in_dim3A_5 {add = true} : memref<10000xf32, #tpu.memory_space<vmem>>[vector<16xi32>], vector<16xf32>,
      %get3A_256 = arith.constant 2 : i32
      %get3A_257 = arith.index_cast %get3A_256 : i32 to index
      %get3A_258 = arith.constant 64 : index
      %get3A_259 = tpu.vector_load %arg10[%get3A_257, %get3A_258] {strides = array<i32>} : memref<5x80xi32, #tpu.memory_space<vmem>>, vector<16xi32>,
      %get3A_260 = arith.constant 2 : i32
      %get3A_261 = arith.index_cast %get3A_260 : i32 to index
      %get3A_262 = arith.constant 64 : index
      %get3A_263 = tpu.vector_load %arg11[%get3A_261, %get3A_262] {strides = array<i32>} : memref<5x80xf32, #tpu.memory_space<vmem>>, vector<16xf32>,
      tpu.vector_store_idx %arg13[%get3A_259], %get3A_263 {add = true} : memref<10000xf32, #tpu.memory_space<vmem>>[vector<16xi32>], vector<16xf32>,
      tpu.vector_store_idx %arg14[%get3A_259], %broadcast_in_dim3A_5 {add = true} : memref<10000xf32, #tpu.memory_space<vmem>>[vector<16xi32>], vector<16xf32>,
      %dma_wait3A_264 = arith.constant 2 : i32
      %dma_wait3A_265 = arith.constant 0 : i32
      %dma_wait3A_266 = arith.constant 0 : i32
      %dma_wait3A_267 = arith.constant 0 : i32
      %dma_wait3A_268 = arith.constant 0 : i32
      %dma_wait3A_269 = tpu.memref_slice %arg12[%dma_wait3A_265, %dma_wait3A_267, %dma_wait3A_268] : memref<2x80x128xf32, #tpu.memory_space<vmem>> -> memref<1x80x128xf32, #tpu.memory_space<vmem>>
      %dma_wait3A_270 = tpu.memref_squeeze %dma_wait3A_269 : memref<1x80x128xf32, #tpu.memory_space<vmem>> -> memref<80x128xf32, #tpu.memory_space<vmem>>
      %dma_wait3A_271 = arith.constant 0 : i32
      %dma_wait3A_272 = tpu.memref_slice %arg9[%dma_wait3A_264, %dma_wait3A_271] : memref<5x80xi32, #tpu.memory_space<vmem>> -> memref<1x80xi32, #tpu.memory_space<vmem>>
      %dma_wait3A_273 = tpu.memref_squeeze %dma_wait3A_272 : memref<1x80xi32, #tpu.memory_space<vmem>> -> memref<80xi32, #tpu.memory_space<vmem>>
      %dma_wait3A_274 = arith.constant 0 : i32
      %dma_wait3A_275 = arith.constant 0 : i32
      %dma_wait3A_276 = tpu.memref_slice %arg2[%dma_wait3A_274, %dma_wait3A_275] : memref<10000x128xf32, #tpu.memory_space<hbm>> -> memref<10000x128xf32, #tpu.memory_space<hbm>>
      %dma_wait3A_277 = tpu.memref_slice %arg16[%dma_wait3A_266] : memref<2x!tpu.dma_semaphore, #tpu.memory_space<semaphore_mem>> -> memref<1x!tpu.dma_semaphore, #tpu.memory_space<semaphore_mem>>
      %dma_wait3A_278 = tpu.memref_squeeze %dma_wait3A_277 : memref<1x!tpu.dma_semaphore, #tpu.memory_space<semaphore_mem>> -> memref<!tpu.dma_semaphore, #tpu.memory_space<semaphore_mem>>
      tpu.wait_indirect_dma semaphore(%dma_wait3A_278 : memref<!tpu.dma_semaphore, #tpu.memory_space<semaphore_mem>>) src(%dma_wait3A_276 : memref<10000x128xf32, #tpu.memory_space<hbm>>) dst(%dma_wait3A_270 : memref<80x128xf32, #tpu.memory_space<vmem>>)
      %dma_start3A_279 = arith.constant 0 : i32
      %dma_start3A_280 = arith.constant 2 : i32
      %dma_start3A_281 = arith.constant 0 : i32
      %dma_start3A_282 = arith.constant 0 : i32
      %dma_start3A_283 = arith.constant 0 : i32
      %dma_start3A_284 = tpu.memref_slice %arg12[%dma_start3A_279, %dma_start3A_282, %dma_start3A_283] : memref<2x80x128xf32, #tpu.memory_space<vmem>> -> memref<1x80x128xf32, #tpu.memory_space<vmem>>
      %dma_start3A_285 = tpu.memref_squeeze %dma_start3A_284 : memref<1x80x128xf32, #tpu.memory_space<vmem>> -> memref<80x128xf32, #tpu.memory_space<vmem>>
      %dma_start3A_286 = arith.constant 0 : i32
      %dma_start3A_287 = tpu.memref_slice %arg10[%dma_start3A_280, %dma_start3A_286] : memref<5x80xi32, #tpu.memory_space<vmem>> -> memref<1x80xi32, #tpu.memory_space<vmem>>
      %dma_start3A_288 = tpu.memref_squeeze %dma_start3A_287 : memref<1x80xi32, #tpu.memory_space<vmem>> -> memref<80xi32, #tpu.memory_space<vmem>>
      %dma_start3A_289 = arith.constant 0 : i32
      %dma_start3A_290 = arith.constant 0 : i32
      %dma_start3A_291 = tpu.memref_slice %arg15[%dma_start3A_289, %dma_start3A_290] : memref<10000x128xf32, #tpu.memory_space<vmem_shared>> -> memref<10000x128xf32, #tpu.memory_space<vmem_shared>>
      %dma_start3A_292 = tpu.memref_slice %arg17[%dma_start3A_281] : memref<2x!tpu.dma_semaphore, #tpu.memory_space<semaphore_mem>> -> memref<1x!tpu.dma_semaphore, #tpu.memory_space<semaphore_mem>>
      %dma_start3A_293 = tpu.memref_squeeze %dma_start3A_292 : memref<1x!tpu.dma_semaphore, #tpu.memory_space<semaphore_mem>> -> memref<!tpu.dma_semaphore, #tpu.memory_space<semaphore_mem>>
      tpu.enqueue_indirect_dma source(%dma_start3A_285 : memref<80x128xf32, #tpu.memory_space<vmem>>) target(%dma_start3A_291 : memref<10000x128xf32, #tpu.memory_space<vmem_shared>>) offsets(%dma_start3A_288 : memref<80xi32, #tpu.memory_space<vmem>>) semaphore(%dma_start3A_293 : memref<!tpu.dma_semaphore, #tpu.memory_space<semaphore_mem>>) {add = true}
      %dma_wait3A_294 = arith.constant 1 : i32
      %dma_wait3A_295 = arith.constant 1 : i32
      %dma_wait3A_296 = arith.constant 1 : i32
      %dma_wait3A_297 = arith.constant 0 : i32
      %dma_wait3A_298 = arith.constant 0 : i32
      %dma_wait3A_299 = tpu.memref_slice %arg12[%dma_wait3A_294, %dma_wait3A_297, %dma_wait3A_298] : memref<2x80x128xf32, #tpu.memory_space<vmem>> -> memref<1x80x128xf32, #tpu.memory_space<vmem>>
      %dma_wait3A_300 = tpu.memref_squeeze %dma_wait3A_299 : memref<1x80x128xf32, #tpu.memory_space<vmem>> -> memref<80x128xf32, #tpu.memory_space<vmem>>
      %dma_wait3A_301 = arith.constant 0 : i32
      %dma_wait3A_302 = tpu.memref_slice %arg10[%dma_wait3A_295, %dma_wait3A_301] : memref<5x80xi32, #tpu.memory_space<vmem>> -> memref<1x80xi32, #tpu.memory_space<vmem>>
      %dma_wait3A_303 = tpu.memref_squeeze %dma_wait3A_302 : memref<1x80xi32, #tpu.memory_space<vmem>> -> memref<80xi32, #tpu.memory_space<vmem>>
      %dma_wait3A_304 = arith.constant 0 : i32
      %dma_wait3A_305 = arith.constant 0 : i32
      %dma_wait3A_306 = tpu.memref_slice %arg15[%dma_wait3A_304, %dma_wait3A_305] : memref<10000x128xf32, #tpu.memory_space<vmem_shared>> -> memref<10000x128xf32, #tpu.memory_space<vmem_shared>>
      %dma_wait3A_307 = tpu.memref_slice %arg17[%dma_wait3A_296] : memref<2x!tpu.dma_semaphore, #tpu.memory_space<semaphore_mem>> -> memref<1x!tpu.dma_semaphore, #tpu.memory_space<semaphore_mem>>
      %dma_wait3A_308 = tpu.memref_squeeze %dma_wait3A_307 : memref<1x!tpu.dma_semaphore, #tpu.memory_space<semaphore_mem>> -> memref<!tpu.dma_semaphore, #tpu.memory_space<semaphore_mem>>
      tpu.wait_indirect_dma semaphore(%dma_wait3A_308 : memref<!tpu.dma_semaphore, #tpu.memory_space<semaphore_mem>>) src(%dma_wait3A_300 : memref<80x128xf32, #tpu.memory_space<vmem>>) dst(%dma_wait3A_306 : memref<10000x128xf32, #tpu.memory_space<vmem_shared>>)
      %dma_start3A_309 = arith.constant 3 : i32
      %dma_start3A_310 = arith.constant 1 : i32
      %dma_start3A_311 = arith.constant 1 : i32
      %dma_start3A_312 = arith.constant 0 : i32
      %dma_start3A_313 = arith.constant 0 : i32
      %dma_start3A_314 = tpu.memref_slice %arg12[%dma_start3A_310, %dma_start3A_312, %dma_start3A_313] : memref<2x80x128xf32, #tpu.memory_space<vmem>> -> memref<1x80x128xf32, #tpu.memory_space<vmem>>
      %dma_start3A_315 = tpu.memref_squeeze %dma_start3A_314 : memref<1x80x128xf32, #tpu.memory_space<vmem>> -> memref<80x128xf32, #tpu.memory_space<vmem>>
      %dma_start3A_316 = arith.constant 0 : i32
      %dma_start3A_317 = tpu.memref_slice %arg9[%dma_start3A_309, %dma_start3A_316] : memref<5x80xi32, #tpu.memory_space<vmem>> -> memref<1x80xi32, #tpu.memory_space<vmem>>
      %dma_start3A_318 = tpu.memref_squeeze %dma_start3A_317 : memref<1x80xi32, #tpu.memory_space<vmem>> -> memref<80xi32, #tpu.memory_space<vmem>>
      %dma_start3A_319 = arith.constant 0 : i32
      %dma_start3A_320 = arith.constant 0 : i32
      %dma_start3A_321 = tpu.memref_slice %arg2[%dma_start3A_319, %dma_start3A_320] : memref<10000x128xf32, #tpu.memory_space<hbm>> -> memref<10000x128xf32, #tpu.memory_space<hbm>>
      %dma_start3A_322 = tpu.memref_slice %arg16[%dma_start3A_311] : memref<2x!tpu.dma_semaphore, #tpu.memory_space<semaphore_mem>> -> memref<1x!tpu.dma_semaphore, #tpu.memory_space<semaphore_mem>>
      %dma_start3A_323 = tpu.memref_squeeze %dma_start3A_322 : memref<1x!tpu.dma_semaphore, #tpu.memory_space<semaphore_mem>> -> memref<!tpu.dma_semaphore, #tpu.memory_space<semaphore_mem>>
      tpu.enqueue_indirect_dma source(%dma_start3A_321 : memref<10000x128xf32, #tpu.memory_space<hbm>>) target(%dma_start3A_315 : memref<80x128xf32, #tpu.memory_space<vmem>>) offsets(%dma_start3A_318 : memref<80xi32, #tpu.memory_space<vmem>>) semaphore(%dma_start3A_323 : memref<!tpu.dma_semaphore, #tpu.memory_space<semaphore_mem>>)
      %get3A_324 = arith.constant 3 : i32
      %get3A_325 = arith.index_cast %get3A_324 : i32 to index
      %get3A_326 = arith.constant 0 : index
      %get3A_327 = tpu.vector_load %arg10[%get3A_325, %get3A_326] {strides = array<i32>} : memref<5x80xi32, #tpu.memory_space<vmem>>, vector<16xi32>,
      %get3A_328 = arith.constant 3 : i32
      %get3A_329 = arith.index_cast %get3A_328 : i32 to index
      %get3A_330 = arith.constant 0 : index
      %get3A_331 = tpu.vector_load %arg11[%get3A_329, %get3A_330] {strides = array<i32>} : memref<5x80xf32, #tpu.memory_space<vmem>>, vector<16xf32>,
      tpu.vector_store_idx %arg13[%get3A_327], %get3A_331 {add = true} : memref<10000xf32, #tpu.memory_space<vmem>>[vector<16xi32>], vector<16xf32>,
      tpu.vector_store_idx %arg14[%get3A_327], %broadcast_in_dim3A_5 {add = true} : memref<10000xf32, #tpu.memory_space<vmem>>[vector<16xi32>], vector<16xf32>,
      %get3A_332 = arith.constant 3 : i32
      %get3A_333 = arith.index_cast %get3A_332 : i32 to index
      %get3A_334 = arith.constant 16 : index
      %get3A_335 = tpu.vector_load %arg10[%get3A_333, %get3A_334] {strides = array<i32>} : memref<5x80xi32, #tpu.memory_space<vmem>>, vector<16xi32>,
      %get3A_336 = arith.constant 3 : i32
      %get3A_337 = arith.index_cast %get3A_336 : i32 to index
      %get3A_338 = arith.constant 16 : index
      %get3A_339 = tpu.vector_load %arg11[%get3A_337, %get3A_338] {strides = array<i32>} : memref<5x80xf32, #tpu.memory_space<vmem>>, vector<16xf32>,
      tpu.vector_store_idx %arg13[%get3A_335], %get3A_339 {add = true} : memref<10000xf32, #tpu.memory_space<vmem>>[vector<16xi32>], vector<16xf32>,
      tpu.vector_store_idx %arg14[%get3A_335], %broadcast_in_dim3A_5 {add = true} : memref<10000xf32, #tpu.memory_space<vmem>>[vector<16xi32>], vector<16xf32>,
      %get3A_340 = arith.constant 3 : i32
      %get3A_341 = arith.index_cast %get3A_340 : i32 to index
      %get3A_342 = arith.constant 32 : index
      %get3A_343 = tpu.vector_load %arg10[%get3A_341, %get3A_342] {strides = array<i32>} : memref<5x80xi32, #tpu.memory_space<vmem>>, vector<16xi32>,
      %get3A_344 = arith.constant 3 : i32
      %get3A_345 = arith.index_cast %get3A_344 : i32 to index
      %get3A_346 = arith.constant 32 : index
      %get3A_347 = tpu.vector_load %arg11[%get3A_345, %get3A_346] {strides = array<i32>} : memref<5x80xf32, #tpu.memory_space<vmem>>, vector<16xf32>,
      tpu.vector_store_idx %arg13[%get3A_343], %get3A_347 {add = true} : memref<10000xf32, #tpu.memory_space<vmem>>[vector<16xi32>], vector<16xf32>,
      tpu.vector_store_idx %arg14[%get3A_343], %broadcast_in_dim3A_5 {add = true} : memref<10000xf32, #tpu.memory_space<vmem>>[vector<16xi32>], vector<16xf32>,
      %get3A_348 = arith.constant 3 : i32
      %get3A_349 = arith.index_cast %get3A_348 : i32 to index
      %get3A_350 = arith.constant 48 : index
      %get3A_351 = tpu.vector_load %arg10[%get3A_349, %get3A_350] {strides = array<i32>} : memref<5x80xi32, #tpu.memory_space<vmem>>, vector<16xi32>,
      %get3A_352 = arith.constant 3 : i32
      %get3A_353 = arith.index_cast %get3A_352 : i32 to index
      %get3A_354 = arith.constant 48 : index
      %get3A_355 = tpu.vector_load %arg11[%get3A_353, %get3A_354] {strides = array<i32>} : memref<5x80xf32, #tpu.memory_space<vmem>>, vector<16xf32>,
      tpu.vector_store_idx %arg13[%get3A_351], %get3A_355 {add = true} : memref<10000xf32, #tpu.memory_space<vmem>>[vector<16xi32>], vector<16xf32>,
      tpu.vector_store_idx %arg14[%get3A_351], %broadcast_in_dim3A_5 {add = true} : memref<10000xf32, #tpu.memory_space<vmem>>[vector<16xi32>], vector<16xf32>,
      %get3A_356 = arith.constant 3 : i32
      %get3A_357 = arith.index_cast %get3A_356 : i32 to index
      %get3A_358 = arith.constant 64 : index
      %get3A_359 = tpu.vector_load %arg10[%get3A_357, %get3A_358] {strides = array<i32>} : memref<5x80xi32, #tpu.memory_space<vmem>>, vector<16xi32>,
      %get3A_360 = arith.constant 3 : i32
      %get3A_361 = arith.index_cast %get3A_360 : i32 to index
      %get3A_362 = arith.constant 64 : index
      %get3A_363 = tpu.vector_load %arg11[%get3A_361, %get3A_362] {strides = array<i32>} : memref<5x80xf32, #tpu.memory_space<vmem>>, vector<16xf32>,
      tpu.vector_store_idx %arg13[%get3A_359], %get3A_363 {add = true} : memref<10000xf32, #tpu.memory_space<vmem>>[vector<16xi32>], vector<16xf32>,
      tpu.vector_store_idx %arg14[%get3A_359], %broadcast_in_dim3A_5 {add = true} : memref<10000xf32, #tpu.memory_space<vmem>>[vector<16xi32>], vector<16xf32>,
      %dma_wait3A_364 = arith.constant 3 : i32
      %dma_wait3A_365 = arith.constant 1 : i32
      %dma_wait3A_366 = arith.constant 1 : i32
      %dma_wait3A_367 = arith.constant 0 : i32
      %dma_wait3A_368 = arith.constant 0 : i32
      %dma_wait3A_369 = tpu.memref_slice %arg12[%dma_wait3A_365, %dma_wait3A_367, %dma_wait3A_368] : memref<2x80x128xf32, #tpu.memory_space<vmem>> -> memref<1x80x128xf32, #tpu.memory_space<vmem>>
      %dma_wait3A_370 = tpu.memref_squeeze %dma_wait3A_369 : memref<1x80x128xf32, #tpu.memory_space<vmem>> -> memref<80x128xf32, #tpu.memory_space<vmem>>
      %dma_wait3A_371 = arith.constant 0 : i32
      %dma_wait3A_372 = tpu.memref_slice %arg9[%dma_wait3A_364, %dma_wait3A_371] : memref<5x80xi32, #tpu.memory_space<vmem>> -> memref<1x80xi32, #tpu.memory_space<vmem>>
      %dma_wait3A_373 = tpu.memref_squeeze %dma_wait3A_372 : memref<1x80xi32, #tpu.memory_space<vmem>> -> memref<80xi32, #tpu.memory_space<vmem>>
      %dma_wait3A_374 = arith.constant 0 : i32
      %dma_wait3A_375 = arith.constant 0 : i32
      %dma_wait3A_376 = tpu.memref_slice %arg2[%dma_wait3A_374, %dma_wait3A_375] : memref<10000x128xf32, #tpu.memory_space<hbm>> -> memref<10000x128xf32, #tpu.memory_space<hbm>>
      %dma_wait3A_377 = tpu.memref_slice %arg16[%dma_wait3A_366] : memref<2x!tpu.dma_semaphore, #tpu.memory_space<semaphore_mem>> -> memref<1x!tpu.dma_semaphore, #tpu.memory_space<semaphore_mem>>
      %dma_wait3A_378 = tpu.memref_squeeze %dma_wait3A_377 : memref<1x!tpu.dma_semaphore, #tpu.memory_space<semaphore_mem>> -> memref<!tpu.dma_semaphore, #tpu.memory_space<semaphore_mem>>
      tpu.wait_indirect_dma semaphore(%dma_wait3A_378 : memref<!tpu.dma_semaphore, #tpu.memory_space<semaphore_mem>>) src(%dma_wait3A_376 : memref<10000x128xf32, #tpu.memory_space<hbm>>) dst(%dma_wait3A_370 : memref<80x128xf32, #tpu.memory_space<vmem>>)
      %dma_start3A_379 = arith.constant 1 : i32
      %dma_start3A_380 = arith.constant 3 : i32
      %dma_start3A_381 = arith.constant 1 : i32
      %dma_start3A_382 = arith.constant 0 : i32
      %dma_start3A_383 = arith.constant 0 : i32
      %dma_start3A_384 = tpu.memref_slice %arg12[%dma_start3A_379, %dma_start3A_382, %dma_start3A_383] : memref<2x80x128xf32, #tpu.memory_space<vmem>> -> memref<1x80x128xf32, #tpu.memory_space<vmem>>
      %dma_start3A_385 = tpu.memref_squeeze %dma_start3A_384 : memref<1x80x128xf32, #tpu.memory_space<vmem>> -> memref<80x128xf32, #tpu.memory_space<vmem>>
      %dma_start3A_386 = arith.constant 0 : i32
      %dma_start3A_387 = tpu.memref_slice %arg10[%dma_start3A_380, %dma_start3A_386] : memref<5x80xi32, #tpu.memory_space<vmem>> -> memref<1x80xi32, #tpu.memory_space<vmem>>
      %dma_start3A_388 = tpu.memref_squeeze %dma_start3A_387 : memref<1x80xi32, #tpu.memory_space<vmem>> -> memref<80xi32, #tpu.memory_space<vmem>>
      %dma_start3A_389 = arith.constant 0 : i32
      %dma_start3A_390 = arith.constant 0 : i32
      %dma_start3A_391 = tpu.memref_slice %arg15[%dma_start3A_389, %dma_start3A_390] : memref<10000x128xf32, #tpu.memory_space<vmem_shared>> -> memref<10000x128xf32, #tpu.memory_space<vmem_shared>>
      %dma_start3A_392 = tpu.memref_slice %arg17[%dma_start3A_381] : memref<2x!tpu.dma_semaphore, #tpu.memory_space<semaphore_mem>> -> memref<1x!tpu.dma_semaphore, #tpu.memory_space<semaphore_mem>>
      %dma_start3A_393 = tpu.memref_squeeze %dma_start3A_392 : memref<1x!tpu.dma_semaphore, #tpu.memory_space<semaphore_mem>> -> memref<!tpu.dma_semaphore, #tpu.memory_space<semaphore_mem>>
      tpu.enqueue_indirect_dma source(%dma_start3A_385 : memref<80x128xf32, #tpu.memory_space<vmem>>) target(%dma_start3A_391 : memref<10000x128xf32, #tpu.memory_space<vmem_shared>>) offsets(%dma_start3A_388 : memref<80xi32, #tpu.memory_space<vmem>>) semaphore(%dma_start3A_393 : memref<!tpu.dma_semaphore, #tpu.memory_space<semaphore_mem>>) {add = true}
      %dma_wait3A_394 = arith.constant 0 : i32
      %dma_wait3A_395 = arith.constant 2 : i32
      %dma_wait3A_396 = arith.constant 0 : i32
      %dma_wait3A_397 = arith.constant 0 : i32
      %dma_wait3A_398 = arith.constant 0 : i32
      %dma_wait3A_399 = tpu.memref_slice %arg12[%dma_wait3A_394, %dma_wait3A_397, %dma_wait3A_398] : memref<2x80x128xf32, #tpu.memory_space<vmem>> -> memref<1x80x128xf32, #tpu.memory_space<vmem>>
      %dma_wait3A_400 = tpu.memref_squeeze %dma_wait3A_399 : memref<1x80x128xf32, #tpu.memory_space<vmem>> -> memref<80x128xf32, #tpu.memory_space<vmem>>
      %dma_wait3A_401 = arith.constant 0 : i32
      %dma_wait3A_402 = tpu.memref_slice %arg10[%dma_wait3A_395, %dma_wait3A_401] : memref<5x80xi32, #tpu.memory_space<vmem>> -> memref<1x80xi32, #tpu.memory_space<vmem>>
      %dma_wait3A_403 = tpu.memref_squeeze %dma_wait3A_402 : memref<1x80xi32, #tpu.memory_space<vmem>> -> memref<80xi32, #tpu.memory_space<vmem>>
      %dma_wait3A_404 = arith.constant 0 : i32
      %dma_wait3A_405 = arith.constant 0 : i32
      %dma_wait3A_406 = tpu.memref_slice %arg15[%dma_wait3A_404, %dma_wait3A_405] : memref<10000x128xf32, #tpu.memory_space<vmem_shared>> -> memref<10000x128xf32, #tpu.memory_space<vmem_shared>>
      %dma_wait3A_407 = tpu.memref_slice %arg17[%dma_wait3A_396] : memref<2x!tpu.dma_semaphore, #tpu.memory_space<semaphore_mem>> -> memref<1x!tpu.dma_semaphore, #tpu.memory_space<semaphore_mem>>
      %dma_wait3A_408 = tpu.memref_squeeze %dma_wait3A_407 : memref<1x!tpu.dma_semaphore, #tpu.memory_space<semaphore_mem>> -> memref<!tpu.dma_semaphore, #tpu.memory_space<semaphore_mem>>
      tpu.wait_indirect_dma semaphore(%dma_wait3A_408 : memref<!tpu.dma_semaphore, #tpu.memory_space<semaphore_mem>>) src(%dma_wait3A_400 : memref<80x128xf32, #tpu.memory_space<vmem>>) dst(%dma_wait3A_406 : memref<10000x128xf32, #tpu.memory_space<vmem_shared>>)
      %dma_start3A_409 = arith.constant 4 : i32
      %dma_start3A_410 = arith.constant 0 : i32
      %dma_start3A_411 = arith.constant 0 : i32
      %dma_start3A_412 = arith.constant 0 : i32
      %dma_start3A_413 = arith.constant 0 : i32
      %dma_start3A_414 = tpu.memref_slice %arg12[%dma_start3A_410, %dma_start3A_412, %dma_start3A_413] : memref<2x80x128xf32, #tpu.memory_space<vmem>> -> memref<1x80x128xf32, #tpu.memory_space<vmem>>
      %dma_start3A_415 = tpu.memref_squeeze %dma_start3A_414 : memref<1x80x128xf32, #tpu.memory_space<vmem>> -> memref<80x128xf32, #tpu.memory_space<vmem>>
      %dma_start3A_416 = arith.constant 0 : i32
      %dma_start3A_417 = tpu.memref_slice %arg9[%dma_start3A_409, %dma_start3A_416] : memref<5x80xi32, #tpu.memory_space<vmem>> -> memref<1x80xi32, #tpu.memory_space<vmem>>
      %dma_start3A_418 = tpu.memref_squeeze %dma_start3A_417 : memref<1x80xi32, #tpu.memory_space<vmem>> -> memref<80xi32, #tpu.memory_space<vmem>>
      %dma_start3A_419 = arith.constant 0 : i32
      %dma_start3A_420 = arith.constant 0 : i32
      %dma_start3A_421 = tpu.memref_slice %arg2[%dma_start3A_419, %dma_start3A_420] : memref<10000x128xf32, #tpu.memory_space<hbm>> -> memref<10000x128xf32, #tpu.memory_space<hbm>>
      %dma_start3A_422 = tpu.memref_slice %arg16[%dma_start3A_411] : memref<2x!tpu.dma_semaphore, #tpu.memory_space<semaphore_mem>> -> memref<1x!tpu.dma_semaphore, #tpu.memory_space<semaphore_mem>>
      %dma_start3A_423 = tpu.memref_squeeze %dma_start3A_422 : memref<1x!tpu.dma_semaphore, #tpu.memory_space<semaphore_mem>> -> memref<!tpu.dma_semaphore, #tpu.memory_space<semaphore_mem>>
      tpu.enqueue_indirect_dma source(%dma_start3A_421 : memref<10000x128xf32, #tpu.memory_space<hbm>>) target(%dma_start3A_415 : memref<80x128xf32, #tpu.memory_space<vmem>>) offsets(%dma_start3A_418 : memref<80xi32, #tpu.memory_space<vmem>>) semaphore(%dma_start3A_423 : memref<!tpu.dma_semaphore, #tpu.memory_space<semaphore_mem>>)
      %get3A_424 = arith.constant 4 : i32
      %get3A_425 = arith.index_cast %get3A_424 : i32 to index
      %get3A_426 = arith.constant 0 : index
      %get3A_427 = tpu.vector_load %arg10[%get3A_425, %get3A_426] {strides = array<i32>} : memref<5x80xi32, #tpu.memory_space<vmem>>, vector<16xi32>,
      %get3A_428 = arith.constant 4 : i32
      %get3A_429 = arith.index_cast %get3A_428 : i32 to index
      %get3A_430 = arith.constant 0 : index
      %get3A_431 = tpu.vector_load %arg11[%get3A_429, %get3A_430] {strides = array<i32>} : memref<5x80xf32, #tpu.memory_space<vmem>>, vector<16xf32>,
      tpu.vector_store_idx %arg13[%get3A_427], %get3A_431 {add = true} : memref<10000xf32, #tpu.memory_space<vmem>>[vector<16xi32>], vector<16xf32>,
      tpu.vector_store_idx %arg14[%get3A_427], %broadcast_in_dim3A_5 {add = true} : memref<10000xf32, #tpu.memory_space<vmem>>[vector<16xi32>], vector<16xf32>,
      %get3A_432 = arith.constant 4 : i32
      %get3A_433 = arith.index_cast %get3A_432 : i32 to index
      %get3A_434 = arith.constant 16 : index
      %get3A_435 = tpu.vector_load %arg10[%get3A_433, %get3A_434] {strides = array<i32>} : memref<5x80xi32, #tpu.memory_space<vmem>>, vector<16xi32>,
      %get3A_436 = arith.constant 4 : i32
      %get3A_437 = arith.index_cast %get3A_436 : i32 to index
      %get3A_438 = arith.constant 16 : index
      %get3A_439 = tpu.vector_load %arg11[%get3A_437, %get3A_438] {strides = array<i32>} : memref<5x80xf32, #tpu.memory_space<vmem>>, vector<16xf32>,
      tpu.vector_store_idx %arg13[%get3A_435], %get3A_439 {add = true} : memref<10000xf32, #tpu.memory_space<vmem>>[vector<16xi32>], vector<16xf32>,
      tpu.vector_store_idx %arg14[%get3A_435], %broadcast_in_dim3A_5 {add = true} : memref<10000xf32, #tpu.memory_space<vmem>>[vector<16xi32>], vector<16xf32>,
      %get3A_440 = arith.constant 4 : i32
      %get3A_441 = arith.index_cast %get3A_440 : i32 to index
      %get3A_442 = arith.constant 32 : index
      %get3A_443 = tpu.vector_load %arg10[%get3A_441, %get3A_442] {strides = array<i32>} : memref<5x80xi32, #tpu.memory_space<vmem>>, vector<16xi32>,
      %get3A_444 = arith.constant 4 : i32
      %get3A_445 = arith.index_cast %get3A_444 : i32 to index
      %get3A_446 = arith.constant 32 : index
      %get3A_447 = tpu.vector_load %arg11[%get3A_445, %get3A_446] {strides = array<i32>} : memref<5x80xf32, #tpu.memory_space<vmem>>, vector<16xf32>,
      tpu.vector_store_idx %arg13[%get3A_443], %get3A_447 {add = true} : memref<10000xf32, #tpu.memory_space<vmem>>[vector<16xi32>], vector<16xf32>,
      tpu.vector_store_idx %arg14[%get3A_443], %broadcast_in_dim3A_5 {add = true} : memref<10000xf32, #tpu.memory_space<vmem>>[vector<16xi32>], vector<16xf32>,
      %get3A_448 = arith.constant 4 : i32
      %get3A_449 = arith.index_cast %get3A_448 : i32 to index
      %get3A_450 = arith.constant 48 : index
      %get3A_451 = tpu.vector_load %arg10[%get3A_449, %get3A_450] {strides = array<i32>} : memref<5x80xi32, #tpu.memory_space<vmem>>, vector<16xi32>,
      %get3A_452 = arith.constant 4 : i32
      %get3A_453 = arith.index_cast %get3A_452 : i32 to index
      %get3A_454 = arith.constant 48 : index
      %get3A_455 = tpu.vector_load %arg11[%get3A_453, %get3A_454] {strides = array<i32>} : memref<5x80xf32, #tpu.memory_space<vmem>>, vector<16xf32>,
      tpu.vector_store_idx %arg13[%get3A_451], %get3A_455 {add = true} : memref<10000xf32, #tpu.memory_space<vmem>>[vector<16xi32>], vector<16xf32>,
      tpu.vector_store_idx %arg14[%get3A_451], %broadcast_in_dim3A_5 {add = true} : memref<10000xf32, #tpu.memory_space<vmem>>[vector<16xi32>], vector<16xf32>,
      %get3A_456 = arith.constant 4 : i32
      %get3A_457 = arith.index_cast %get3A_456 : i32 to index
      %get3A_458 = arith.constant 64 : index
      %get3A_459 = tpu.vector_load %arg10[%get3A_457, %get3A_458] {strides = array<i32>} : memref<5x80xi32, #tpu.memory_space<vmem>>, vector<16xi32>,
      %get3A_460 = arith.constant 4 : i32
      %get3A_461 = arith.index_cast %get3A_460 : i32 to index
      %get3A_462 = arith.constant 64 : index
      %get3A_463 = tpu.vector_load %arg11[%get3A_461, %get3A_462] {strides = array<i32>} : memref<5x80xf32, #tpu.memory_space<vmem>>, vector<16xf32>,
      tpu.vector_store_idx %arg13[%get3A_459], %get3A_463 {add = true} : memref<10000xf32, #tpu.memory_space<vmem>>[vector<16xi32>], vector<16xf32>,
      tpu.vector_store_idx %arg14[%get3A_459], %broadcast_in_dim3A_5 {add = true} : memref<10000xf32, #tpu.memory_space<vmem>>[vector<16xi32>], vector<16xf32>,
      %dma_wait3A_464 = arith.constant 4 : i32
      %dma_wait3A_465 = arith.constant 0 : i32
      %dma_wait3A_466 = arith.constant 0 : i32
      %dma_wait3A_467 = arith.constant 0 : i32
      %dma_wait3A_468 = arith.constant 0 : i32
      %dma_wait3A_469 = tpu.memref_slice %arg12[%dma_wait3A_465, %dma_wait3A_467, %dma_wait3A_468] : memref<2x80x128xf32, #tpu.memory_space<vmem>> -> memref<1x80x128xf32, #tpu.memory_space<vmem>>
      %dma_wait3A_470 = tpu.memref_squeeze %dma_wait3A_469 : memref<1x80x128xf32, #tpu.memory_space<vmem>> -> memref<80x128xf32, #tpu.memory_space<vmem>>
      %dma_wait3A_471 = arith.constant 0 : i32
      %dma_wait3A_472 = tpu.memref_slice %arg9[%dma_wait3A_464, %dma_wait3A_471] : memref<5x80xi32, #tpu.memory_space<vmem>> -> memref<1x80xi32, #tpu.memory_space<vmem>>
      %dma_wait3A_473 = tpu.memref_squeeze %dma_wait3A_472 : memref<1x80xi32, #tpu.memory_space<vmem>> -> memref<80xi32, #tpu.memory_space<vmem>>
      %dma_wait3A_474 = arith.constant 0 : i32
      %dma_wait3A_475 = arith.constant 0 : i32
      %dma_wait3A_476 = tpu.memref_slice %arg2[%dma_wait3A_474, %dma_wait3A_475] : memref<10000x128xf32, #tpu.memory_space<hbm>> -> memref<10000x128xf32, #tpu.memory_space<hbm>>
      %dma_wait3A_477 = tpu.memref_slice %arg16[%dma_wait3A_466] : memref<2x!tpu.dma_semaphore, #tpu.memory_space<semaphore_mem>> -> memref<1x!tpu.dma_semaphore, #tpu.memory_space<semaphore_mem>>
      %dma_wait3A_478 = tpu.memref_squeeze %dma_wait3A_477 : memref<1x!tpu.dma_semaphore, #tpu.memory_space<semaphore_mem>> -> memref<!tpu.dma_semaphore, #tpu.memory_space<semaphore_mem>>
      tpu.wait_indirect_dma semaphore(%dma_wait3A_478 : memref<!tpu.dma_semaphore, #tpu.memory_space<semaphore_mem>>) src(%dma_wait3A_476 : memref<10000x128xf32, #tpu.memory_space<hbm>>) dst(%dma_wait3A_470 : memref<80x128xf32, #tpu.memory_space<vmem>>)
      %dma_start3A_479 = arith.constant 0 : i32
      %dma_start3A_480 = arith.constant 4 : i32
      %dma_start3A_481 = arith.constant 0 : i32
      %dma_start3A_482 = arith.constant 0 : i32
      %dma_start3A_483 = arith.constant 0 : i32
      %dma_start3A_484 = tpu.memref_slice %arg12[%dma_start3A_479, %dma_start3A_482, %dma_start3A_483] : memref<2x80x128xf32, #tpu.memory_space<vmem>> -> memref<1x80x128xf32, #tpu.memory_space<vmem>>
      %dma_start3A_485 = tpu.memref_squeeze %dma_start3A_484 : memref<1x80x128xf32, #tpu.memory_space<vmem>> -> memref<80x128xf32, #tpu.memory_space<vmem>>
      %dma_start3A_486 = arith.constant 0 : i32
      %dma_start3A_487 = tpu.memref_slice %arg10[%dma_start3A_480, %dma_start3A_486] : memref<5x80xi32, #tpu.memory_space<vmem>> -> memref<1x80xi32, #tpu.memory_space<vmem>>
      %dma_start3A_488 = tpu.memref_squeeze %dma_start3A_487 : memref<1x80xi32, #tpu.memory_space<vmem>> -> memref<80xi32, #tpu.memory_space<vmem>>
      %dma_start3A_489 = arith.constant 0 : i32
      %dma_start3A_490 = arith.constant 0 : i32
      %dma_start3A_491 = tpu.memref_slice %arg15[%dma_start3A_489, %dma_start3A_490] : memref<10000x128xf32, #tpu.memory_space<vmem_shared>> -> memref<10000x128xf32, #tpu.memory_space<vmem_shared>>
      %dma_start3A_492 = tpu.memref_slice %arg17[%dma_start3A_481] : memref<2x!tpu.dma_semaphore, #tpu.memory_space<semaphore_mem>> -> memref<1x!tpu.dma_semaphore, #tpu.memory_space<semaphore_mem>>
      %dma_start3A_493 = tpu.memref_squeeze %dma_start3A_492 : memref<1x!tpu.dma_semaphore, #tpu.memory_space<semaphore_mem>> -> memref<!tpu.dma_semaphore, #tpu.memory_space<semaphore_mem>>
      tpu.enqueue_indirect_dma source(%dma_start3A_485 : memref<80x128xf32, #tpu.memory_space<vmem>>) target(%dma_start3A_491 : memref<10000x128xf32, #tpu.memory_space<vmem_shared>>) offsets(%dma_start3A_488 : memref<80xi32, #tpu.memory_space<vmem>>) semaphore(%dma_start3A_493 : memref<!tpu.dma_semaphore, #tpu.memory_space<semaphore_mem>>) {add = true}
      %dma_wait3A_494 = arith.constant 0 : i32
      %dma_wait3A_495 = arith.constant 4 : i32
      %dma_wait3A_496 = arith.constant 0 : i32
      %dma_wait3A_497 = arith.constant 0 : i32
      %dma_wait3A_498 = arith.constant 0 : i32
      %dma_wait3A_499 = tpu.memref_slice %arg12[%dma_wait3A_494, %dma_wait3A_497, %dma_wait3A_498] : memref<2x80x128xf32, #tpu.memory_space<vmem>> -> memref<1x80x128xf32, #tpu.memory_space<vmem>>
      %dma_wait3A_500 = tpu.memref_squeeze %dma_wait3A_499 : memref<1x80x128xf32, #tpu.memory_space<vmem>> -> memref<80x128xf32, #tpu.memory_space<vmem>>
      %dma_wait3A_501 = arith.constant 0 : i32
      %dma_wait3A_502 = tpu.memref_slice %arg10[%dma_wait3A_495, %dma_wait3A_501] : memref<5x80xi32, #tpu.memory_space<vmem>> -> memref<1x80xi32, #tpu.memory_space<vmem>>
      %dma_wait3A_503 = tpu.memref_squeeze %dma_wait3A_502 : memref<1x80xi32, #tpu.memory_space<vmem>> -> memref<80xi32, #tpu.memory_space<vmem>>
      %dma_wait3A_504 = arith.constant 0 : i32
      %dma_wait3A_505 = arith.constant 0 : i32
      %dma_wait3A_506 = tpu.memref_slice %arg15[%dma_wait3A_504, %dma_wait3A_505] : memref<10000x128xf32, #tpu.memory_space<vmem_shared>> -> memref<10000x128xf32, #tpu.memory_space<vmem_shared>>
      %dma_wait3A_507 = tpu.memref_slice %arg17[%dma_wait3A_496] : memref<2x!tpu.dma_semaphore, #tpu.memory_space<semaphore_mem>> -> memref<1x!tpu.dma_semaphore, #tpu.memory_space<semaphore_mem>>
      %dma_wait3A_508 = tpu.memref_squeeze %dma_wait3A_507 : memref<1x!tpu.dma_semaphore, #tpu.memory_space<semaphore_mem>> -> memref<!tpu.dma_semaphore, #tpu.memory_space<semaphore_mem>>
      tpu.wait_indirect_dma semaphore(%dma_wait3A_508 : memref<!tpu.dma_semaphore, #tpu.memory_space<semaphore_mem>>) src(%dma_wait3A_500 : memref<80x128xf32, #tpu.memory_space<vmem>>) dst(%dma_wait3A_506 : memref<10000x128xf32, #tpu.memory_space<vmem_shared>>)
      %dma_wait3A_509 = arith.constant 1 : i32
      %dma_wait3A_510 = arith.constant 3 : i32
      %dma_wait3A_511 = arith.constant 1 : i32
      %dma_wait3A_512 = arith.constant 0 : i32
      %dma_wait3A_513 = arith.constant 0 : i32
      %dma_wait3A_514 = tpu.memref_slice %arg12[%dma_wait3A_509, %dma_wait3A_512, %dma_wait3A_513] : memref<2x80x128xf32, #tpu.memory_space<vmem>> -> memref<1x80x128xf32, #tpu.memory_space<vmem>>
      %dma_wait3A_515 = tpu.memref_squeeze %dma_wait3A_514 : memref<1x80x128xf32, #tpu.memory_space<vmem>> -> memref<80x128xf32, #tpu.memory_space<vmem>>
      %dma_wait3A_516 = arith.constant 0 : i32
      %dma_wait3A_517 = tpu.memref_slice %arg10[%dma_wait3A_510, %dma_wait3A_516] : memref<5x80xi32, #tpu.memory_space<vmem>> -> memref<1x80xi32, #tpu.memory_space<vmem>>
      %dma_wait3A_518 = tpu.memref_squeeze %dma_wait3A_517 : memref<1x80xi32, #tpu.memory_space<vmem>> -> memref<80xi32, #tpu.memory_space<vmem>>
      %dma_wait3A_519 = arith.constant 0 : i32
      %dma_wait3A_520 = arith.constant 0 : i32
      %dma_wait3A_521 = tpu.memref_slice %arg15[%dma_wait3A_519, %dma_wait3A_520] : memref<10000x128xf32, #tpu.memory_space<vmem_shared>> -> memref<10000x128xf32, #tpu.memory_space<vmem_shared>>
      %dma_wait3A_522 = tpu.memref_slice %arg17[%dma_wait3A_511] : memref<2x!tpu.dma_semaphore, #tpu.memory_space<semaphore_mem>> -> memref<1x!tpu.dma_semaphore, #tpu.memory_space<semaphore_mem>>
      %dma_wait3A_523 = tpu.memref_squeeze %dma_wait3A_522 : memref<1x!tpu.dma_semaphore, #tpu.memory_space<semaphore_mem>> -> memref<!tpu.dma_semaphore, #tpu.memory_space<semaphore_mem>>
      tpu.wait_indirect_dma semaphore(%dma_wait3A_523 : memref<!tpu.dma_semaphore, #tpu.memory_space<semaphore_mem>>) src(%dma_wait3A_515 : memref<80x128xf32, #tpu.memory_space<vmem>>) dst(%dma_wait3A_521 : memref<10000x128xf32, #tpu.memory_space<vmem_shared>>)
    }
    %scan3A_12 = arith.constant 25 : i32
    %barrier3A_13 = arith.constant 0 : index
    tpu.barrier barrier_id(%barrier3A_13)
    "tpu.region"() ({
      %run_scoped3A = tpu.sem_alloc : memref<!tpu.dma_semaphore, #tpu.memory_space<semaphore_mem>>
      %dma_start3A = arith.constant 0 : i32
      %dma_start3A_16 = tpu.memref_slice %arg7[%arg0, %mul3A_4, %dma_start3A] : memref<2x10000x128xf32, #tpu.memory_space<hbm>> -> memref<1x625x128xf32, #tpu.memory_space<hbm>>
      %dma_start3A_17 = tpu.memref_squeeze %dma_start3A_16 : memref<1x625x128xf32, #tpu.memory_space<hbm>> -> memref<625x128xf32, #tpu.memory_space<hbm>>
      %dma_start3A_18 = arith.constant 0 : i32
      %dma_start3A_19 = tpu.memref_slice %arg15[%mul3A_4, %dma_start3A_18] : memref<10000x128xf32, #tpu.memory_space<vmem_shared>> -> memref<625x128xf32, #tpu.memory_space<vmem_shared>>
      tpu.enqueue_dma source(%dma_start3A_19 : memref<625x128xf32, #tpu.memory_space<vmem_shared>>) target(%dma_start3A_17 : memref<625x128xf32, #tpu.memory_space<hbm>>) target_semaphore(%run_scoped3A : memref<!tpu.dma_semaphore, #tpu.memory_space<semaphore_mem>>)
      %dma_wait3A = arith.constant 0 : i32
      %dma_wait3A_20 = tpu.memref_slice %arg7[%arg0, %mul3A_4, %dma_wait3A] : memref<2x10000x128xf32, #tpu.memory_space<hbm>> -> memref<1x625x128xf32, #tpu.memory_space<hbm>>
      %dma_wait3A_21 = tpu.memref_squeeze %dma_wait3A_20 : memref<1x625x128xf32, #tpu.memory_space<hbm>> -> memref<625x128xf32, #tpu.memory_space<hbm>>
      %dma_wait3A_22 = arith.constant 0 : i32
      %dma_wait3A_23 = tpu.memref_slice %arg15[%mul3A_4, %dma_wait3A_22] : memref<10000x128xf32, #tpu.memory_space<vmem_shared>> -> memref<625x128xf32, #tpu.memory_space<vmem_shared>>
      tpu.wait_dma2 semaphore(%run_scoped3A : memref<!tpu.dma_semaphore, #tpu.memory_space<semaphore_mem>>) src(%dma_wait3A_23 : memref<625x128xf32, #tpu.memory_space<vmem_shared>>) dst(%dma_wait3A_21 : memref<625x128xf32, #tpu.memory_space<hbm>>)
      tpu.yield
    }) : () -> ()
    "tpu.region"() ({
      %run_scoped3A = tpu.sem_alloc : memref<!tpu.dma_semaphore, #tpu.memory_space<semaphore_mem>>
      %dma_start3A = arith.constant 0 : i32
      %dma_start3A_16 = tpu.memref_slice %arg8[%add3A, %dma_start3A] : memref<64x10000xf32, #tpu.memory_space<hbm>> -> memref<1x10000xf32, #tpu.memory_space<hbm>>
      %dma_start3A_17 = tpu.memref_squeeze %dma_start3A_16 : memref<1x10000xf32, #tpu.memory_space<hbm>> -> memref<10000xf32, #tpu.memory_space<hbm>>
      %dma_start3A_18 = arith.constant 0 : i32
      %dma_start3A_19 = tpu.memref_slice %arg8[%add3A, %dma_start3A_18] : memref<64x10000xf32, #tpu.memory_space<hbm>> -> memref<1x10000xf32, #tpu.memory_space<hbm>>
      %dma_start3A_20 = tpu.memref_squeeze %dma_start3A_19 : memref<1x10000xf32, #tpu.memory_space<hbm>> -> memref<10000xf32, #tpu.memory_space<hbm>>
      tpu.enqueue_dma source(%arg13 : memref<10000xf32, #tpu.memory_space<vmem>>) target(%dma_start3A_20 : memref<10000xf32, #tpu.memory_space<hbm>>) target_semaphore(%run_scoped3A : memref<!tpu.dma_semaphore, #tpu.memory_space<semaphore_mem>>)
      %dma_wait3A = arith.constant 0 : i32
      %dma_wait3A_21 = tpu.memref_slice %arg8[%add3A, %dma_wait3A] : memref<64x10000xf32, #tpu.memory_space<hbm>> -> memref<1x10000xf32, #tpu.memory_space<hbm>>
      %dma_wait3A_22 = tpu.memref_squeeze %dma_wait3A_21 : memref<1x10000xf32, #tpu.memory_space<hbm>> -> memref<10000xf32, #tpu.memory_space<hbm>>
      %dma_wait3A_23 = arith.constant 0 : i32
      %dma_wait3A_24 = tpu.memref_slice %arg8[%add3A, %dma_wait3A_23] : memref<64x10000xf32, #tpu.memory_space<hbm>> -> memref<1x10000xf32, #tpu.memory_space<hbm>>
      %dma_wait3A_25 = tpu.memref_squeeze %dma_wait3A_24 : memref<1x10000xf32, #tpu.memory_space<hbm>> -> memref<10000xf32, #tpu.memory_space<hbm>>
      tpu.wait_dma2 semaphore(%run_scoped3A : memref<!tpu.dma_semaphore, #tpu.memory_space<semaphore_mem>>) src(%arg13 : memref<10000xf32, #tpu.memory_space<vmem>>) dst(%dma_wait3A_25 : memref<10000xf32, #tpu.memory_space<hbm>>)
      tpu.yield
    }) : () -> ()
    %add3A_14 = arith.constant 32 : i32
    %add3A_15 = arith.addi %add3A_14, %add3A : i32
    "tpu.region"() ({
      %run_scoped3A = tpu.sem_alloc : memref<!tpu.dma_semaphore, #tpu.memory_space<semaphore_mem>>
      %dma_start3A = arith.constant 0 : i32
      %dma_start3A_16 = tpu.memref_slice %arg8[%add3A_15, %dma_start3A] : memref<64x10000xf32, #tpu.memory_space<hbm>> -> memref<1x10000xf32, #tpu.memory_space<hbm>>
      %dma_start3A_17 = tpu.memref_squeeze %dma_start3A_16 : memref<1x10000xf32, #tpu.memory_space<hbm>> -> memref<10000xf32, #tpu.memory_space<hbm>>
      %dma_start3A_18 = arith.constant 0 : i32
      %dma_start3A_19 = tpu.memref_slice %arg8[%add3A_15, %dma_start3A_18] : memref<64x10000xf32, #tpu.memory_space<hbm>> -> memref<1x10000xf32, #tpu.memory_space<hbm>>
      %dma_start3A_20 = tpu.memref_squeeze %dma_start3A_19 : memref<1x10000xf32, #tpu.memory_space<hbm>> -> memref<10000xf32, #tpu.memory_space<hbm>>
      tpu.enqueue_dma source(%arg14 : memref<10000xf32, #tpu.memory_space<vmem>>) target(%dma_start3A_20 : memref<10000xf32, #tpu.memory_space<hbm>>) target_semaphore(%run_scoped3A : memref<!tpu.dma_semaphore, #tpu.memory_space<semaphore_mem>>)
      %dma_wait3A = arith.constant 0 : i32
      %dma_wait3A_21 = tpu.memref_slice %arg8[%add3A_15, %dma_wait3A] : memref<64x10000xf32, #tpu.memory_space<hbm>> -> memref<1x10000xf32, #tpu.memory_space<hbm>>
      %dma_wait3A_22 = tpu.memref_squeeze %dma_wait3A_21 : memref<1x10000xf32, #tpu.memory_space<hbm>> -> memref<10000xf32, #tpu.memory_space<hbm>>
      %dma_wait3A_23 = arith.constant 0 : i32
      %dma_wait3A_24 = tpu.memref_slice %arg8[%add3A_15, %dma_wait3A_23] : memref<64x10000xf32, #tpu.memory_space<hbm>> -> memref<1x10000xf32, #tpu.memory_space<hbm>>
      %dma_wait3A_25 = tpu.memref_squeeze %dma_wait3A_24 : memref<1x10000xf32, #tpu.memory_space<hbm>> -> memref<10000xf32, #tpu.memory_space<hbm>>
      tpu.wait_dma2 semaphore(%run_scoped3A : memref<!tpu.dma_semaphore, #tpu.memory_space<semaphore_mem>>) src(%arg14 : memref<10000xf32, #tpu.memory_space<vmem>>) dst(%dma_wait3A_25 : memref<10000xf32, #tpu.memory_space<hbm>>)
      tpu.yield
    }) : () -> ()
    return
  }
}

module attributes {stable_mosaic.version = 14 : i64} {
  func.func @_mlp_body(%arg0: i32, %arg1: memref<1x1024x128xf32, #tpu.memory_space<vmem>>, %arg2: memref<1x1024x128xf32, #tpu.memory_space<vmem>>, %arg3: memref<64x1024xf32, #tpu.memory_space<vmem>>, %arg4: memref<64x128xf32, #tpu.memory_space<vmem>>, %arg5: memref<1024x128xf32, #tpu.memory_space<vmem>>, %arg6: memref<128x128xf32, #tpu.memory_space<vmem>>, %arg7: memref<1x128xf32, #tpu.memory_space<vmem>>, %arg8: memref<128x128xf32, #tpu.memory_space<vmem>>, %arg9: memref<1x128xf32, #tpu.memory_space<vmem>>, %arg10: memref<1024x128xf32, #tpu.memory_space<vmem>>) attributes {dimension_semantics = [#tpu.dimension_semantics<arbitrary>], iteration_bounds = array<i64: 10>, scalar_prefetch = 0 : i64, scratch_operands = 0 : i64, tpu.core_type = #tpu.core_type<tc>, window_params = [{transform_indices = @transform_0, window_bounds = array<i64: 1, 1024, 128>}, {transform_indices = @transform_1, window_bounds = array<i64: 1, 1024, 128>}, {transform_indices = @transform_2, window_bounds = array<i64: 64, 1024>}, {pipeline_mode = #tpu.pipeline_mode<synchronous>, transform_indices = @transform_3, window_bounds = array<i64: 64, 128>}, {transform_indices = @transform_4, window_bounds = array<i64: 1024, 128>}, {pipeline_mode = #tpu.pipeline_mode<synchronous>, transform_indices = @transform_5, window_bounds = array<i64: 128, 128>}, {pipeline_mode = #tpu.pipeline_mode<synchronous>, transform_indices = @transform_6, window_bounds = array<i64: 1, 128>}, {pipeline_mode = #tpu.pipeline_mode<synchronous>, transform_indices = @transform_7, window_bounds = array<i64: 128, 128>}, {pipeline_mode = #tpu.pipeline_mode<synchronous>, transform_indices = @transform_8, window_bounds = array<i64: 1, 128>}, {transform_indices = @transform_9, window_bounds = array<i64: 1024, 128>}]} {
    %get3A = arith.constant 0 : index
    %get3A_0 = arith.constant 0 : index
    %get3A_1 = vector.load %arg3[%get3A, %get3A_0] : memref<64x1024xf32, #tpu.memory_space<vmem>>, vector<64x1024xf32>
    %get3A_2 = arith.constant 0 : index
    %get3A_3 = arith.constant 0 : index
    %get3A_4 = vector.load %arg4[%get3A_2, %get3A_3] : memref<64x128xf32, #tpu.memory_space<vmem>>, vector<64x128xf32>
    %dot_general3A = arith.constant dense<0.000000e+00> : vector<1024x128xf32>
    %dot_general3A_5 = tpu.matmul %get3A_1, %get3A_4, %dot_general3A {dimension_numbers = #tpu.dot_dimension_numbers<[0], [0], [1], [1], [0, 1, 1, 1], [], []>, precision = #tpu.contract_precision<fp32>, transpose_lhs_hint = false} : vector<64x1024xf32>, vector<64x128xf32>, vector<1024x128xf32> -> vector<1024x128xf32>
    %get3A_6 = arith.constant 0 : index
    %get3A_7 = arith.constant 0 : index
    %get3A_8 = arith.constant 0 : index
    %get3A_9 = vector.load %arg1[%get3A_6, %get3A_7, %get3A_8] : memref<1x1024x128xf32, #tpu.memory_space<vmem>>, vector<1x1024x128xf32>
    %squeeze3A = vector.shape_cast %get3A_9 : vector<1x1024x128xf32> to vector<1024x128xf32>
    %get3A_10 = arith.constant 0 : index
    %get3A_11 = arith.constant 0 : index
    %get3A_12 = arith.constant 0 : index
    %get3A_13 = vector.load %arg2[%get3A_10, %get3A_11, %get3A_12] : memref<1x1024x128xf32, #tpu.memory_space<vmem>>, vector<1x1024x128xf32>
    %squeeze3A_14 = vector.shape_cast %get3A_13 : vector<1x1024x128xf32> to vector<1024x128xf32>
    %add3A = arith.addf %squeeze3A, %squeeze3A_14 : vector<1024x128xf32>
    %get3A_15 = arith.constant 0 : index
    %get3A_16 = arith.constant 0 : index
    %get3A_17 = vector.load %arg5[%get3A_15, %get3A_16] : memref<1024x128xf32, #tpu.memory_space<vmem>>, vector<1024x128xf32>
    %add3A_18 = arith.addf %add3A, %get3A_17 : vector<1024x128xf32>
    %add3A_19 = arith.addf %add3A_18, %dot_general3A_5 : vector<1024x128xf32>
    %get3A_20 = arith.constant 0 : index
    %get3A_21 = arith.constant 0 : index
    %get3A_22 = vector.load %arg6[%get3A_20, %get3A_21] : memref<128x128xf32, #tpu.memory_space<vmem>>, vector<128x128xf32>
    %dot_general3A_23 = arith.constant dense<0.000000e+00> : vector<1024x128xf32>
    %dot_general3A_24 = tpu.matmul %add3A_19, %get3A_22, %dot_general3A_23 {dimension_numbers = #tpu.dot_dimension_numbers<[1], [0], [0], [1], [0, 0, 1, 1], [], []>, transpose_lhs_hint = false} : vector<1024x128xf32>, vector<128x128xf32>, vector<1024x128xf32> -> vector<1024x128xf32>
    %get3A_25 = arith.constant 0 : index
    %get3A_26 = arith.constant 0 : index
    %get3A_27 = vector.load %arg7[%get3A_25, %get3A_26] : memref<1x128xf32, #tpu.memory_space<vmem>>, vector<1x128xf32>
    %add3A_28 = vector.broadcast %get3A_27 : vector<1x128xf32> to vector<1024x128xf32>
    %add3A_29 = arith.addf %dot_general3A_24, %add3A_28 : vector<1024x128xf32>
    %max3A = arith.constant 0.000000e+00 : f32
    %max3A_30 = vector.broadcast %max3A : f32 to vector<1024x128xf32>
    %max3A_31 = arith.maximumf %add3A_29, %max3A_30 : vector<1024x128xf32>
    %get3A_32 = arith.constant 0 : index
    %get3A_33 = arith.constant 0 : index
    %get3A_34 = vector.load %arg8[%get3A_32, %get3A_33] : memref<128x128xf32, #tpu.memory_space<vmem>>, vector<128x128xf32>
    %dot_general3A_35 = arith.constant dense<0.000000e+00> : vector<1024x128xf32>
    %dot_general3A_36 = tpu.matmul %max3A_31, %get3A_34, %dot_general3A_35 {dimension_numbers = #tpu.dot_dimension_numbers<[1], [0], [0], [1], [0, 0, 1, 1], [], []>, transpose_lhs_hint = false} : vector<1024x128xf32>, vector<128x128xf32>, vector<1024x128xf32> -> vector<1024x128xf32>
    %get3A_37 = arith.constant 0 : index
    %get3A_38 = arith.constant 0 : index
    %get3A_39 = vector.load %arg9[%get3A_37, %get3A_38] : memref<1x128xf32, #tpu.memory_space<vmem>>, vector<1x128xf32>
    %add3A_40 = vector.broadcast %get3A_39 : vector<1x128xf32> to vector<1024x128xf32>
    %add3A_41 = arith.addf %dot_general3A_36, %add3A_40 : vector<1024x128xf32>
    %swap3A = arith.constant 0 : index
    %swap3A_42 = arith.constant 0 : index
    %swap3A_43 = vector.load %arg10[%swap3A, %swap3A_42] : memref<1024x128xf32, #tpu.memory_space<vmem>>, vector<1024x128xf32>
    tpu.vector_store %arg10[%swap3A, %swap3A_42], %add3A_41 {strides = array<i32>} : memref<1024x128xf32, #tpu.memory_space<vmem>>, vector<1024x128xf32>,
    return
  }
  func.func @transform_0(%arg0: i32) -> (i32, i32, i32) {
    %c0_i32 = arith.constant 0 : i32
    %c0_i32_0 = arith.constant 0 : i32
    %c0_i32_1 = arith.constant 0 : i32
    return %c0_i32, %arg0, %c0_i32_0 : i32, i32, i32
  }
  func.func @transform_1(%arg0: i32) -> (i32, i32, i32) {
    %c1_i32 = arith.constant 1 : i32
    %c0_i32 = arith.constant 0 : i32
    %c0_i32_0 = arith.constant 0 : i32
    return %c1_i32, %arg0, %c0_i32 : i32, i32, i32
  }
  func.func @transform_2(%arg0: i32) -> (i32, i32) {
    %c0_i32 = arith.constant 0 : i32
    %c0_i32_0 = arith.constant 0 : i32
    return %c0_i32, %arg0 : i32, i32
  }
  func.func @transform_3(%arg0: i32) -> (i32, i32) {
    %c0_i32 = arith.constant 0 : i32
    %c0_i32_0 = arith.constant 0 : i32
    %c0_i32_1 = arith.constant 0 : i32
    return %c0_i32, %c0_i32_0 : i32, i32
  }
  func.func @transform_4(%arg0: i32) -> (i32, i32) {
    %c0_i32 = arith.constant 0 : i32
    %c0_i32_0 = arith.constant 0 : i32
    return %arg0, %c0_i32 : i32, i32
  }
  func.func @transform_5(%arg0: i32) -> (i32, i32) {
    %c0_i32 = arith.constant 0 : i32
    %c0_i32_0 = arith.constant 0 : i32
    %c0_i32_1 = arith.constant 0 : i32
    return %c0_i32, %c0_i32_0 : i32, i32
  }
  func.func @transform_6(%arg0: i32) -> (i32, i32) {
    %c0_i32 = arith.constant 0 : i32
    %c0_i32_0 = arith.constant 0 : i32
    %c0_i32_1 = arith.constant 0 : i32
    return %c0_i32, %c0_i32_0 : i32, i32
  }
  func.func @transform_7(%arg0: i32) -> (i32, i32) {
    %c0_i32 = arith.constant 0 : i32
    %c0_i32_0 = arith.constant 0 : i32
    %c0_i32_1 = arith.constant 0 : i32
    return %c0_i32, %c0_i32_0 : i32, i32
  }
  func.func @transform_8(%arg0: i32) -> (i32, i32) {
    %c0_i32 = arith.constant 0 : i32
    %c0_i32_0 = arith.constant 0 : i32
    %c0_i32_1 = arith.constant 0 : i32
    return %c0_i32, %c0_i32_0 : i32, i32
  }
  func.func @transform_9(%arg0: i32) -> (i32, i32) {
    %c0_i32 = arith.constant 0 : i32
    %c0_i32_0 = arith.constant 0 : i32
    return %arg0, %c0_i32 : i32, i32
  }
}

</mosaic_0001>

<sc_bundles>
// kernel: kernel.4.cloned.1.call-start
scs
__scs_entry_jumppad:
0x0: {  	(pc) =	sbr.rel $0x88, $3  }
0x1: {  	(tag) =	ssettag $0x0;
	lr =	simm.s32 $0x1  }
0x2: {  	[smem:$0x3F98] =	sst lr;
	_ =	strace $0xD0000000  }
0x3: {  	_ = 	snop  }
0x4: {  	_ = 	snop  }
0x5: {  	_ = 	snop  }
0x6: {  	_ = 	snop  }
0x7: {  	_ = 	snop  }
__scs_overlays_trampoline_lowered:
0x8: {  	[smem:$0x3FA7] =	sst s0  }
0x9: {  	[smem:$0x3FA8] =	sst s1  }
0xa: {  	[smem:$0x3FA9] =	sst s2  }
0xb: {  	[smem:$0x3FAA] =	sst s3  }
0xc: {  	[smem:$0x3FAB] =	sst s4  }
0xd: {  	[smem:$0x3FAC] =	sst s5  }
0xe: {  	[smem:$0x3FAD] =	sst s6  }
0xf: {  	[smem:$0x3FAE] =	sst s7  }
0x10: {  	[smem:$0x3FAF] =	sst s8  }
0x11: {  	[smem:$0x3FB0] =	sst s9;
	s0 =	simm.s32 @!p0 $0x0  }
0x12: {  	s1 =	sld [smem:$0x3F96];
	s0 =	simm.s32 @p0 $0x1  }
0x13: {  	[smem:$0x3FB1] =	sst s0;
	s0 =	simm.s32 @!p1 $0x0  }
0x14: {  	s2 =	sld [smem:$0x3F95];
	s0 =	simm.s32 @p1 $0x1  }
0x15: {  	[smem:$0x3FB2] =	sst s0;
	s0 =	simm.s32 @!p2 $0x0  }
0x16: {  	s3 =	sld [smem:$0x3FDB];
	s0 =	simm.s32 @p2 $0x1  }
0x17: {  	s4 =	simm.s32 $0x1BF5;
	[smem:$0x3FB4] =	sst s0  }
0x18: {  	s0 =	sld [smem:$0x3F97];
	_ =	swait.ge [sflag:s4], $0x0  }
0x19: {  	s7 =	sld [smem:$0x3F98]  }
0x1a: {  	s8 =	sadd.s32 $0xFFFFE003, lr  }
0x1b: {  	s9 =	sadd.s32 $0xFFFFFEF7, lr;
	s5 =	simm.s32 $0xFFFFFFFF;
	p2 =	slt.u32 s8, $0xFFFFF086  }
0x1c: {  	p1 =	slt.u32 s9, $0xF7A;
	s5 =	simm.s32 @!p2 $0x0  }
0x1d: {  	s5 =	simm.s32 @p1 $0x1;
	p0 =	seq.s32 s7, s2  }
0x1e: {  	s7 =	smul.u32 @!p0 $0xF7A, s2;
	p2 =	seq.s32 @!p0 s5, $0x0  }
0x1f: {  	s9 =	smul.u32 $0xF7A, s1;
	s8 =	simm.s32 @!p0 $0x1BF5;
	p2 =	por !p2, p0  }
0x20: {  	[sflag:s8] =	ssyncset.s32 @!p0 $0xFFFFF086;
	s6 =	sadd.s32 @!p0 s3, s7;
	s7 =	simm.s32 @!p0 $0x108  }
0x21: {  	s3 =	sadd.s32 s3, s9;
	s6 =	sadd.s32 @!p0 $0x88, s6;
	s7 =	simm.s32 @p2 $0x1082  }
0x22: {  	[simem:s7], [sflag:s8] =	dma.local @!p0 [hbm:s6], $0xF7A  }
0x23: {  	s9 =	sor.u32 $0xD0000000, s2;
	s6 =	simm.s32 $0x108;
	_ =	swait.ge @!p0 [sflag:s8], $0x0  }
0x24: {  	s3 =	sadd.s32 $0x88, s3;
	s6 =	simm.s32 @!p1 $0x1082;
	[sflag:s4] =	ssyncset.s32 $0xFFFFF086  }
0x25: {  	[simem:s6], [sflag:s4] =	dma.local [hbm:s3], $0xF7A  }
0x26: {  	[smem:$0x3F98] =	sst s1;
	(tag) =	ssettag s2;
	_ =	strace s9  }
0x27: {  	s1 =	sld [smem:$0x3FA8]  }
0x28: {  	s2 =	sld [smem:$0x3FA9]  }
0x29: {  	s4 =	sld [smem:$0x3FAB]  }
0x2a: {  	p0 =	seq.s32 s5, $0x0;
	s5 =	sld [smem:$0x3FAC]  }
0x2b: {  	s6 =	sld [smem:$0x3FAD]  }
0x2c: {  	s7 =	sld [smem:$0x3FAE]  }
0x2d: {  	s3 =	simm.s32 $0x108;
	s8 =	sld [smem:$0x3FAF]  }
0x2e: {  	s3 =	simm.s32 @!p0 $0x1082;
	s9 =	sld [smem:$0x3FB0]  }
0x2f: {  	lr =	sadd.s32 s0, s3;
	s0 =	sld [smem:$0x3FA7]  }
0x30: {  	s3 =	sld [smem:$0x3FAA]  }
0x31: {  	[smem:$0x3FB3] =	sst s10  }
0x32: {  	s10 =	sld [smem:$0x3FB1];
	_ =	sdelay $0x3  }
0x33: {  	p0 =	seq.s32 s10, $0x1;
	s10 =	sld [smem:$0x3FB3];
	_ =	sdelay $0x3  }
0x34: {  	[smem:$0x3FB3] =	sst s10  }
0x35: {  	s10 =	sld [smem:$0x3FB2];
	_ =	sdelay $0x3  }
0x36: {  	p1 =	seq.s32 s10, $0x1;
	s10 =	sld [smem:$0x3FB3];
	_ =	sdelay $0x3  }
0x37: {  	[smem:$0x3FB3] =	sst s10  }
0x38: {  	s10 =	sld [smem:$0x3FB4]  }
0x39: {  	_ = 	snop;
	(pc) =	sbr.ind lr, $3  }
0x3a: {  	_ = 	snop  }
0x3b: {  	_ = 	snop  }
0x3c: {  	p2 =	seq.s32 s10, $0x1;
	s10 =	sld [smem:$0x3FB3]  }
0x3d: {  	_ =	shalt  }
0x3e: {  	_ =	shalt  }
0x3f: {  	_ =	shalt  }
0x40: {  	_ =	shalt  }
0x41: {  	_ =	shalt  }
0x42: {  	_ =	shalt  }
0x43: {  	_ =	shalt  }
0x44: {  	_ =	shalt  }
0x45: {  	_ =	shalt  }
0x46: {  	_ =	shalt  }
0x47: {  	_ =	shalt  }
0x48: {  	_ =	shalt  }
0x49: {  	_ =	shalt  }
0x4a: {  	_ =	shalt  }
0x4b: {  	_ =	shalt  }
0x4c: {  	_ =	shalt  }
0x4d: {  	_ =	shalt  }
0x4e: {  	_ =	shalt  }
0x4f: {  	_ =	shalt  }
0x50: {  	_ =	shalt  }
0x51: {  	_ =	shalt  }
0x52: {  	_ =	shalt  }
0x53: {  	_ =	shalt  }
0x54: {  	_ =	shalt  }
0x55: {  	_ =	shalt  }
0x56: {  	_ =	shalt  }
0x57: {  	_ =	shalt  }
0x58: {  	_ =	shalt  }
0x59: {  	_ =	shalt  }
0x5a: {  	_ =	shalt  }
0x5b: {  	_ =	shalt  }
0x5c: {  	_ =	shalt  }
0x5d: {  	_ =	shalt  }
0x5e: {  	_ =	shalt  }
0x5f: {  	_ =	shalt  }
0x60: {  	_ =	shalt  }
0x61: {  	_ =	shalt  }
0x62: {  	_ =	shalt  }
0x63: {  	_ =	shalt  }
0x64: {  	_ =	shalt  }
0x65: {  	_ =	shalt  }
0x66: {  	_ =	shalt  }
0x67: {  	_ =	shalt  }
0x68: {  	_ =	shalt  }
0x69: {  	_ =	shalt  }
0x6a: {  	_ =	shalt  }
0x6b: {  	_ =	shalt  }
0x6c: {  	_ =	shalt  }
0x6d: {  	_ =	shalt  }
0x6e: {  	_ =	shalt  }
0x6f: {  	_ =	shalt  }
0x70: {  	_ =	shalt  }
0x71: {  	_ =	shalt  }
0x72: {  	_ =	shalt  }
0x73: {  	_ =	shalt  }
0x74: {  	_ =	shalt  }
0x75: {  	_ =	shalt  }
0x76: {  	_ =	shalt  }
0x77: {  	_ =	shalt  }
0x78: {  	_ =	shalt  }
0x79: {  	_ =	shalt  }
0x7a: {  	_ =	shalt  }
0x7b: {  	_ =	shalt  }
0x7c: {  	_ =	shalt  }
0x7d: {  	_ =	shalt  }
0x7e: {  	_ =	shalt  }
0x7f: {  	_ =	shalt  }
0x80: {  	_ =	shalt  }
0x81: {  	_ =	shalt  }
0x82: {  	_ =	shalt  }
0x83: {  	_ =	shalt  }
0x84: {  	_ =	shalt  }
0x85: {  	_ =	shalt  }
0x86: {  	_ =	shalt  }
0x87: {  	_ =	shalt  }
.Lfunc_end0:
.L_simem_size_0:
called_computation_lowered:
.L_overlay_start_0:
0x88: {  	s2 =	sld [smem:$0x3FD9]  }
0x89: {  	s3 =	sld [smem:$0x3FFE];
	_ =	sdelay $0x1  }
0x8a: {  	s1 =	srdreg.scid  }
0x8b: {  	s0 =	sand.u32 $0x1, s1  }
0x8c: {  	s17 =	sshll.u32 s0, $0xA;
	s2 =	sadd.s32 s3, s2  }
0x8d: {  	s2 =	sadd.s32 s2, s17  }
0x8e: {  	[smem:$0x3FBF] =	sst s2  }
0x8f: {  	_ = 	snop  }
0x90: {  	s2 =	sld [smem:$0x3FC9]  }
0x91: {  	s18 =	sld [smem:$0x3FC7]  }
0x92: {  	s4 =	sld [smem:$0x3FD0];
	(tm) =	ssettm $0x1  }
0x93: {  	s5 =	sld [smem:$0x3FFB];
	_ =	sdelay $0x3  }
0x94: {  	_ =	strace s5  }
0x95: {  	s5 =	sld [smem:$0x3FFC];
	_ =	sdelay $0x3  }
0x96: {  	_ =	strace s5  }
0x97: {  	s5 =	sld [smem:$0x3FFD];
	_ =	sdelay $0x3  }
0x98: {  	_ =	strace s5  }
0x99: {  	_ =	strace $0x8FFFFFFF  }
0x9a: {  	s19 =	sld [smem:$0x3FDB];
	_ =	sdelay $0x1  }
0x9b: {  	s6 =	simm.s32 $_scs_section_size  }
0x9c: {  	s7 =	simm.s32 $_size__tile_overlayer_lowered;
	s8 =	simm.s32 $_tile_overlayer_lowered  }
0x9d: {  	s22 =	simm.s32 $0x1BFF;
	s21 =	sshll.u32 s8, $0x1;
	s5 =	sadd.s32 s6, s19  }
0x9e: {  	s9 =	simm.s32 $0x0;
	s20 =	sshll.u32 s7, $0x1;
	s7 =	sadd.s32 s21, s5  }
0x9f: {  	[timem:s9], [sflag:s22] =	dma.local [hbm:s7], s20  }
0xa0: {  	_ =	swait.ge [sflag:s22], s20  }
0xa1: {  	s6 =	ssub.s32 $0x0, s20;
	[sflag:s22] =	ssyncset.done $0x0  }
0xa2: {  	[sflag:s22] =	ssyncadd.s32 s6;
	_ =	sdelay $0x1  }
0xa3: {  	s23 =	simm.s32 $0x1B8B  }
0xa4: {  	_ =	swait.ge [sflag:s23], $0x1  }
0xa5: {  	[sflag:s23] =	ssyncset.done $0x0  }
0xa6: {  	s25 =	simm.s32 $0x1B8E;
	s24 =	sld [smem:$0x3FFE];
	[sflag:s23] =	ssyncadd.s32 $0xFFFFFFFF  }
0xa7: {  	s26 =	simm.s32 $execute0_lowered;
	[smem:$0x3FD2] =	sst s25  }
0xa8: {  	s7 =	sshll.u32 s26, $0x1;
	_ =	strace $0x80000046;
	[dreg:$0x1] =	wrdreg $0xFFFFFFFF  }
0xa9: {  	s28 =	simm.s32 $_size_execute0_lowered;
	s5 =	sadd.s32 s5, s7;
	[dreg:$0x0] =	wrdreg $0x0  }
0xaa: {  	s7 =	sshll.u32 s28, $0x1;
	[dreg:$0x2] =	wrdreg s5  }
0xab: {  	[dreg:$0x3] =	wrdreg s7  }
0xac: {  	[dreg:$0x4] =	wrdreg $0xC0  }
0xad: {  	_ =	task [dreg:s9], $0x5FFFF  }
0xae: {  	[dreg:$0x1] =	wrdreg $0xFFFFFFFF  }
0xaf: {  	[dreg:$0x0] =	wrdreg $0x60  }
0xb0: {  	[dreg:$0x2] =	wrdreg s2  }
0xb1: {  	[dreg:$0x3] =	wrdreg s24  }
0xb2: {  	[dreg:$0x4] =	wrdreg s18  }
0xb3: {  	[dreg:$0x5] =	wrdreg s4  }
0xb4: {  	[dreg:$0x6] =	wrdreg $0xA2D00  }
0xb5: {  	[dreg:$0x7] =	wrdreg $0x9  }
0xb6: {  	_ =	task.clear_ibuf [dreg:s9], $0x8FFFF;
	_ =	strace $0x90000046  }
0xb7: {  	s29 =	simm.s32 $0x9;
	_ =	strace $0x80000048  }
0xb8: {  	_ =	swait.ge [sflag:s29], $0x1  }
0xb9: {  	[sflag:s29] =	ssyncadd.s32 $0xFFFFFFFF  }
0xba: {  	_ =	strace $0x90000048  }
0xbb: {  	_ =	sfence  }
0xbc: {  	s30 =	sld [smem:$0x0];
	_ =	sdelay $0x2  }
0xbd: {  	s31 =	sshll.u32 s1, $0xD;
	s1 =	sshrl.u32 s1, $0x2  }
0xbe: {  	s3 =	sand.u32 $0x4000, s31;
	s1 =	sadd.s32 s1, s30  }
0xbf: {  	s0 =	sor.u32 s3, s0;
	s1 =	sshll.u32 s1, $0x11  }
0xc0: {  	s0 =	sor.u32 s1, s0  }
0xc1: {  	s0 =	sadd.s32 $0x8F2B, s0  }
0xc2: {  	[sflag:s0] =	ssyncadd.remote.s32 $0x1  }
0xc3: {  	_ =	sfence.sel $0xFFFF  }
0xc4: {  	[dreg:$0x0] =	wrdreg $0xFFFFFFFF;
	(pc) =	sbr.abs _section_cstart, $3  }
0xc5: {  	[dreg:$0x1] =	wrdreg $0xFFFFFFFF  }
0xc6: {  	_ =	task.clear_ibuf [dreg:s9], $0x2FFFF;
	_ =	strace $0x9FFFFFFF  }
0xc7: {  	(tm) =	ssettm $0x7FFFFFFF  }
tec
execute0_lowered:
.L_overlay_start_1:
0x0: {  	(tag) =	ssettag $0x1  }
0x1: {  	s1 =	rddreg [dreg:$0x0]  }
0x2: {  	s0 =	rddreg [dreg:$0x1]  }
0x3: {  	s2 =	rddreg [dreg:$0x2]  }
0x4: {  	s6 =	rddreg [dreg:$0x3]  }
0x5: {  	s3 =	rddreg [dreg:$0x4];
	s5 =	srdreg.scid  }
0x6: {  	s16 =	stileid.u32;
	s4 =	simm.s32 $0x0;
	s28 =	simm.s32 $0x3  }
0x7: {  	s29 =	simm.s32 $0xA0;
	s30 =	simm.s32 $0x230;
	s31 =	simm.s32 $0x4  }
0x8: {  	s7 =	sand.u32 $0x1, s5;
	s8 =	smul.u32 $0x13880, s16;
	[smem:$0x7FF] =	sst s4  }
0x9: {  	s10 =	sadd.s32 $0x1E00, s0;
	s5 =	sadd.s32 $0x15800, s0;
	s19 =	smul.u32 $0x2710, s16  }
0xa: {  	s18 =	sshll.u32 s16, $0x6;
	s9 =	smul.u32 $0x138800, s7;
	_ =	strace $0x80000047  }
0xb: {  	s11 =	ssub.s32 $0x2, s7;
	s12 =	sshll.u32 s7, $0x4;
	s14 =	smul.u32 $0x27100, s7  }
0xc: {  	s7 =	sor.u32 $0x1C05, s18;
	s18 =	simm.s32 $0x7BC0;
	s13 =	sshrl.u32 s11, $0x1  }
0xd: {  	s12 =	sor.u32 s16, s12;
	s15 =	sadd.s32 s8, s3;
	s16 =	simm.s32 $0x5  }
0xe: {  	s9 =	sadd.s32 s8, s9;
	s11 =	ssub.s32 s11, s13;
	s17 =	smul.u32 $0x2710, s12  }
0xf: {  	s8 =	sshrl.u32 s8, $0x3;
	s20 =	smul.u32 $0x4E2, s12;
	s15 =	sshrl.u32 s15, $0x3  }
0x10: {  	s9 =	sshrl.u32 s9, $0x3;
	s6 =	sadd.s32 s6, s8;
	s8 =	sadd.s32 s19, s14  }
0x11: {  	s25 =	smax.u32 s11, $0x1;
	s19 =	simm.s32 $0x190;
	s9 =	sadd.s32 s9, s0  }
0x12: {  	s0 =	sadd.s32 $0x15E00, s0;
	[dreg:$0x6] =	wrdreg s6;
	s21 =	sshrl.u32 s17, $0x3  }
0x13: {  	s24 =	sadd.s32 $0x4E200, s8;
	[dreg:$0xa] =	wrdreg s25;
	s26 =	sshrl.u32 s8, $0x3  }
0x14: {  	s17 =	simm.s32 $0x54B0;
	s25 =	simm.s32 $0x2;
	s6 =	simm.s32 $0x140  }
0x15: {  	s8 =	simm.s32 $0x2D0;
	s9 =	sadd.s32 $0x29800, s9;
	s22 =	sadd.s32 s0, s21  }
0x16: {  	s0 =	sadd.s32 s0, s20;
	s13 =	sadd.s32 s26, s2;
	s14 =	sadd.s32 s26, s10  }
0x17: {  	s20 =	simm.s32 $0x320;
	s21 =	simm.s32 $0x50;
	[dreg:$0x7] =	wrdreg s9  }
0x18: {  	s26 =	simm.s32 $0x1E0;
	s2 =	simm.s32 $0x280;
	[dreg:$0x8] =	wrdreg s0  }
0x19: {  	s23 =	sadd.s32 $0x9C40, s22;
	s0 =	sshrl.u32 s24, $0x3;
	s22 =	simm.s32 $0x4B0  }
0x1a: {  	s24 =	simm.s32 $0x2CB0;
	s9 =	simm.s32 $0x0;
	[dreg:$0x9] =	wrdreg s23  }
0x1b: {  	v0 =	vimm.f32 $1.000000000e+00;
	s12 =	sadd.s32 s0, s10;
	s23 =	simm.s32 $0x1;
	s0 =	simm.s32 $0xF0  }
.LBB2_1:
0x1c: {  	s10 =	rddreg [dreg:$0x6]  }
0x1d: {  	[spmem:s15], [sflag:s7] =	dma.local [hbm:s10], $0x2710  }
0x1e: {  	_ =	swait.ge [sflag:s16], $0x2710  }
0x1f: {  	[sflag:s16] =	ssyncset.done $0x0  }
0x20: {  	[sflag:s16] =	ssyncadd.s32 $0xFFFFD8F0  }
0x21: {  	[tilespmem:s17], [sflag:$0x5] =	stream.linear.gather [hbm4b:s5+s4], $0x2710, $0x38;
	[tilespmem:$0x1DB50] =	vst v63  }
0x22: {  	_ =	swait.ge [sflag:s16], $0x2710  }
0x23: {  	[sflag:s16] =	ssyncset.done $0x0  }
0x24: {  	[sflag:s16] =	ssyncadd.s32 $0xFFFFD8F0  }
0x25: {  	[tilespmem:s18], [sflag:$0x5] =	stream.linear.gather [hbm4b:s5+s4], $0x2710, $0x38;
	[tilespmem:$0x1DB50] =	vst v63  }
0x26: {  	_ =	swait.ge [sflag:s16], $0x2710  }
0x27: {  	[sflag:s16] =	ssyncset.done $0x0  }
0x28: {  	[sflag:s16] =	ssyncadd.s32 $0xFFFFD8F0  }
0x29: {  	s10 =	simm.s32 $0x0;
	[bflag:$0x0] =	sbarrier.arrive $0xFFFF  }
.LBB2_2:
0x2a: {  	s11 =	sadd.s32 s10, s14  }
0x2b: {  	[tilespmem:s4], [sflag:$0x5] =	stream.linear.gather [hbm4b:s11+s4], $0x190, $0x38;
	[tilespmem:$0x1DB50] =	vst v63  }
0x2c: {  	_ =	swait.ge [sflag:s16], $0x190  }
0x2d: {  	[sflag:s16] =	ssyncset.done $0x0  }
0x2e: {  	s11 =	sadd.s32 s10, s12;
	[sflag:s16] =	ssyncadd.s32 $0xFFFFFE70  }
0x2f: {  	[tilespmem:s19], [sflag:$0x5] =	stream.linear.gather [hbm4b:s11+s4], $0x190, $0x38;
	[tilespmem:$0x1DB50] =	vst v63  }
0x30: {  	_ =	swait.ge [sflag:s16], $0x190  }
0x31: {  	[sflag:s16] =	ssyncset.done $0x0  }
0x32: {  	s11 =	sadd.s32 s10, s13;
	[sflag:s16] =	ssyncadd.s32 $0xFFFFFE70  }
0x33: {  	[tilespmem:s20], [sflag:$0x5] =	stream.linear.gather [hbm4b:s11+s4], $0x190, $0x38;
	[tilespmem:$0x1DB50] =	vst v63  }
0x34: {  	_ =	swait.ge [sflag:s16], $0x190  }
0x35: {  	[sflag:s16] =	ssyncset.done $0x0  }
0x36: {  	[sflag:s16] =	ssyncadd.s32 $0xFFFFFE70  }
0x37: {  	[tilespmem:s22], [sflag:$0x1] =	stream.indirect.gather [hbm4b:s1+s21], $0x80, s4, s21, $0xb8;
	[tilespmem:$0x1DB50] =	vst v63  }
0x38: {  	v1 =	vld [tilespmem:$0x190];
	_ =	sdelay $0x2  }
0x39: {  	v2 =	vld [tilespmem:$0x320];
	_ =	sdelay $0x4  }
0x3a: {  	[tilespmem:v1+s17+$0x0] =	vst.idx.add.f32.msk $0xffff, v2  }
0x3b: {  	[tilespmem:v1+s18+$0x0] =	vst.idx.add.f32.msk $0xffff, v0  }
0x3c: {  	v1 =	vld [tilespmem:$0x1A0];
	_ =	sdelay $0x2  }
0x3d: {  	v2 =	vld [tilespmem:$0x330];
	_ =	sdelay $0x4  }
0x3e: {  	[tilespmem:v1+s17+$0x0] =	vst.idx.add.f32.msk $0xffff, v2  }
0x3f: {  	[tilespmem:v1+s18+$0x0] =	vst.idx.add.f32.msk $0xffff, v0  }
0x40: {  	v1 =	vld [tilespmem:$0x1B0];
	_ =	sdelay $0x2  }
0x41: {  	v2 =	vld [tilespmem:$0x340];
	_ =	sdelay $0x4  }
0x42: {  	[tilespmem:v1+s17+$0x0] =	vst.idx.add.f32.msk $0xffff, v2  }
0x43: {  	[tilespmem:v1+s18+$0x0] =	vst.idx.add.f32.msk $0xffff, v0  }
0x44: {  	v1 =	vld [tilespmem:$0x1C0];
	_ =	sdelay $0x2  }
0x45: {  	v2 =	vld [tilespmem:$0x350];
	_ =	sdelay $0x4  }
0x46: {  	[tilespmem:v1+s17+$0x0] =	vst.idx.add.f32.msk $0xffff, v2  }
0x47: {  	[tilespmem:v1+s18+$0x0] =	vst.idx.add.f32.msk $0xffff, v0  }
0x48: {  	v1 =	vld [tilespmem:$0x1D0];
	_ =	sdelay $0x2  }
0x49: {  	v2 =	vld [tilespmem:$0x360];
	_ =	sdelay $0x4  }
0x4a: {  	[tilespmem:v1+s17+$0x0] =	vst.idx.add.f32.msk $0xffff, v2  }
0x4b: {  	[tilespmem:v1+s18+$0x0] =	vst.idx.add.f32.msk $0xffff, v0  }
0x4c: {  	_ =	swait.ge [sflag:s23], $0x2800  }
0x4d: {  	[sflag:s23] =	ssyncset.done $0x0  }
0x4e: {  	[sflag:s23] =	ssyncadd.s32 $0xFFFFD800  }
0x4f: {  	[spmem:s3] =	stream.indirect.scatter.add.f32 [tilespmem:s22], [sflag:$0x3], $0x80, s19, s21, $0xb8;
	[tilespmem:$0x1DB50] =	vst v63  }
0x50: {  	_ = 	snop  }
0x51: {  	[tilespmem:s24], [sflag:$0x2] =	stream.indirect.gather [hbm4b:s1+s21], $0x80, s21, s21, $0xb8;
	[tilespmem:$0x1DB50] =	vst v63  }
0x52: {  	v1 =	vld [tilespmem:$0x1E0];
	_ =	sdelay $0x2  }
0x53: {  	v2 =	vld [tilespmem:$0x370];
	_ =	sdelay $0x4  }
0x54: {  	[tilespmem:v1+s17+$0x0] =	vst.idx.add.f32.msk $0xffff, v2  }
0x55: {  	[tilespmem:v1+s18+$0x0] =	vst.idx.add.f32.msk $0xffff, v0  }
0x56: {  	v1 =	vld [tilespmem:$0x1F0];
	_ =	sdelay $0x2  }
0x57: {  	v2 =	vld [tilespmem:$0x380];
	_ =	sdelay $0x4  }
0x58: {  	[tilespmem:v1+s17+$0x0] =	vst.idx.add.f32.msk $0xffff, v2  }
0x59: {  	[tilespmem:v1+s18+$0x0] =	vst.idx.add.f32.msk $0xffff, v0  }
0x5a: {  	v1 =	vld [tilespmem:$0x200];
	_ =	sdelay $0x2  }
0x5b: {  	v2 =	vld [tilespmem:$0x390];
	_ =	sdelay $0x4  }
0x5c: {  	[tilespmem:v1+s17+$0x0] =	vst.idx.add.f32.msk $0xffff, v2  }
0x5d: {  	[tilespmem:v1+s18+$0x0] =	vst.idx.add.f32.msk $0xffff, v0  }
0x5e: {  	v1 =	vld [tilespmem:$0x210];
	_ =	sdelay $0x2  }
0x5f: {  	v2 =	vld [tilespmem:$0x3A0];
	_ =	sdelay $0x4  }
0x60: {  	[tilespmem:v1+s17+$0x0] =	vst.idx.add.f32.msk $0xffff, v2  }
0x61: {  	[tilespmem:v1+s18+$0x0] =	vst.idx.add.f32.msk $0xffff, v0  }
0x62: {  	v1 =	vld [tilespmem:$0x220];
	_ =	sdelay $0x2  }
0x63: {  	v2 =	vld [tilespmem:$0x3B0];
	_ =	sdelay $0x4  }
0x64: {  	[tilespmem:v1+s17+$0x0] =	vst.idx.add.f32.msk $0xffff, v2  }
0x65: {  	[tilespmem:v1+s18+$0x0] =	vst.idx.add.f32.msk $0xffff, v0  }
0x66: {  	_ =	swait.ge [sflag:s25], $0x2800  }
0x67: {  	[sflag:s25] =	ssyncset.done $0x0  }
0x68: {  	[sflag:s25] =	ssyncadd.s32 $0xFFFFD800  }
0x69: {  	[spmem:s3] =	stream.indirect.scatter.add.f32 [tilespmem:s24], [sflag:$0x4], $0x80, s26, s21, $0xb8;
	[tilespmem:$0x1DB50] =	vst v63  }
0x6a: {  	_ =	swait.ge [sflag:s28], $0x2800  }
0x6b: {  	[sflag:s28] =	ssyncset.done $0x0  }
0x6c: {  	[sflag:s28] =	ssyncadd.s32 $0xFFFFD800  }
0x6d: {  	[tilespmem:s22], [sflag:$0x1] =	stream.indirect.gather [hbm4b:s1+s21], $0x80, s29, s21, $0xb8;
	[tilespmem:$0x1DB50] =	vst v63  }
0x6e: {  	v1 =	vld [tilespmem:$0x230];
	_ =	sdelay $0x2  }
0x6f: {  	v2 =	vld [tilespmem:$0x3C0];
	_ =	sdelay $0x4  }
0x70: {  	[tilespmem:v1+s17+$0x0] =	vst.idx.add.f32.msk $0xffff, v2  }
0x71: {  	[tilespmem:v1+s18+$0x0] =	vst.idx.add.f32.msk $0xffff, v0  }
0x72: {  	v1 =	vld [tilespmem:$0x240];
	_ =	sdelay $0x2  }
0x73: {  	v2 =	vld [tilespmem:$0x3D0];
	_ =	sdelay $0x4  }
0x74: {  	[tilespmem:v1+s17+$0x0] =	vst.idx.add.f32.msk $0xffff, v2  }
0x75: {  	[tilespmem:v1+s18+$0x0] =	vst.idx.add.f32.msk $0xffff, v0  }
0x76: {  	v1 =	vld [tilespmem:$0x250];
	_ =	sdelay $0x2  }
0x77: {  	v2 =	vld [tilespmem:$0x3E0];
	_ =	sdelay $0x4  }
0x78: {  	[tilespmem:v1+s17+$0x0] =	vst.idx.add.f32.msk $0xffff, v2  }
0x79: {  	[tilespmem:v1+s18+$0x0] =	vst.idx.add.f32.msk $0xffff, v0  }
0x7a: {  	v1 =	vld [tilespmem:$0x260];
	_ =	sdelay $0x2  }
0x7b: {  	v2 =	vld [tilespmem:$0x3F0];
	_ =	sdelay $0x4  }
0x7c: {  	[tilespmem:v1+s17+$0x0] =	vst.idx.add.f32.msk $0xffff, v2  }
0x7d: {  	[tilespmem:v1+s18+$0x0] =	vst.idx.add.f32.msk $0xffff, v0  }
0x7e: {  	v1 =	vld [tilespmem:$0x270];
	_ =	sdelay $0x2  }
0x7f: {  	v2 =	vld [tilespmem:$0x400];
	_ =	sdelay $0x4  }
0x80: {  	[tilespmem:v1+s17+$0x0] =	vst.idx.add.f32.msk $0xffff, v2  }
0x81: {  	[tilespmem:v1+s18+$0x0] =	vst.idx.add.f32.msk $0xffff, v0  }
0x82: {  	_ =	swait.ge [sflag:s23], $0x2800  }
0x83: {  	[sflag:s23] =	ssyncset.done $0x0  }
0x84: {  	[sflag:s23] =	ssyncadd.s32 $0xFFFFD800  }
0x85: {  	[spmem:s3] =	stream.indirect.scatter.add.f32 [tilespmem:s22], [sflag:$0x3], $0x80, s30, s21, $0xb8;
	[tilespmem:$0x1DB50] =	vst v63  }
0x86: {  	_ =	swait.ge [sflag:s31], $0x2800  }
0x87: {  	[sflag:s31] =	ssyncset.done $0x0  }
0x88: {  	[sflag:s31] =	ssyncadd.s32 $0xFFFFD800  }
0x89: {  	[tilespmem:s24], [sflag:$0x2] =	stream.indirect.gather [hbm4b:s1+s21], $0x80, s0, s21, $0xb8;
	[tilespmem:$0x1DB50] =	vst v63  }
0x8a: {  	v1 =	vld [tilespmem:$0x280];
	_ =	sdelay $0x2  }
0x8b: {  	v2 =	vld [tilespmem:$0x410];
	_ =	sdelay $0x4  }
0x8c: {  	[tilespmem:v1+s17+$0x0] =	vst.idx.add.f32.msk $0xffff, v2  }
0x8d: {  	[tilespmem:v1+s18+$0x0] =	vst.idx.add.f32.msk $0xffff, v0  }
0x8e: {  	v1 =	vld [tilespmem:$0x290];
	_ =	sdelay $0x2  }
0x8f: {  	v2 =	vld [tilespmem:$0x420];
	_ =	sdelay $0x4  }
0x90: {  	[tilespmem:v1+s17+$0x0] =	vst.idx.add.f32.msk $0xffff, v2  }
0x91: {  	[tilespmem:v1+s18+$0x0] =	vst.idx.add.f32.msk $0xffff, v0  }
0x92: {  	v1 =	vld [tilespmem:$0x2A0];
	_ =	sdelay $0x2  }
0x93: {  	v2 =	vld [tilespmem:$0x430];
	_ =	sdelay $0x4  }
0x94: {  	[tilespmem:v1+s17+$0x0] =	vst.idx.add.f32.msk $0xffff, v2  }
0x95: {  	[tilespmem:v1+s18+$0x0] =	vst.idx.add.f32.msk $0xffff, v0  }
0x96: {  	v1 =	vld [tilespmem:$0x2B0];
	_ =	sdelay $0x2  }
0x97: {  	v2 =	vld [tilespmem:$0x440];
	_ =	sdelay $0x4  }
0x98: {  	[tilespmem:v1+s17+$0x0] =	vst.idx.add.f32.msk $0xffff, v2  }
0x99: {  	[tilespmem:v1+s18+$0x0] =	vst.idx.add.f32.msk $0xffff, v0  }
0x9a: {  	v1 =	vld [tilespmem:$0x2C0];
	_ =	sdelay $0x2  }
0x9b: {  	v2 =	vld [tilespmem:$0x450];
	_ =	sdelay $0x4  }
0x9c: {  	[tilespmem:v1+s17+$0x0] =	vst.idx.add.f32.msk $0xffff, v2  }
0x9d: {  	[tilespmem:v1+s18+$0x0] =	vst.idx.add.f32.msk $0xffff, v0  }
0x9e: {  	_ =	swait.ge [sflag:s25], $0x2800  }
0x9f: {  	[sflag:s25] =	ssyncset.done $0x0  }
0xa0: {  	[sflag:s25] =	ssyncadd.s32 $0xFFFFD800  }
0xa1: {  	[spmem:s3] =	stream.indirect.scatter.add.f32 [tilespmem:s24], [sflag:$0x4], $0x80, s2, s21, $0xb8;
	[tilespmem:$0x1DB50] =	vst v63  }
0xa2: {  	_ =	swait.ge [sflag:s28], $0x2800  }
0xa3: {  	[sflag:s28] =	ssyncset.done $0x0  }
0xa4: {  	[sflag:s28] =	ssyncadd.s32 $0xFFFFD800  }
0xa5: {  	[tilespmem:s22], [sflag:$0x1] =	stream.indirect.gather [hbm4b:s1+s21], $0x80, s6, s21, $0xb8;
	[tilespmem:$0x1DB50] =	vst v63  }
0xa6: {  	v1 =	vld [tilespmem:$0x2D0];
	_ =	sdelay $0x2  }
0xa7: {  	v2 =	vld [tilespmem:$0x460];
	_ =	sdelay $0x4  }
0xa8: {  	[tilespmem:v1+s17+$0x0] =	vst.idx.add.f32.msk $0xffff, v2  }
0xa9: {  	[tilespmem:v1+s18+$0x0] =	vst.idx.add.f32.msk $0xffff, v0  }
0xaa: {  	v1 =	vld [tilespmem:$0x2E0];
	_ =	sdelay $0x2  }
0xab: {  	v2 =	vld [tilespmem:$0x470];
	_ =	sdelay $0x4  }
0xac: {  	[tilespmem:v1+s17+$0x0] =	vst.idx.add.f32.msk $0xffff, v2  }
0xad: {  	[tilespmem:v1+s18+$0x0] =	vst.idx.add.f32.msk $0xffff, v0  }
0xae: {  	v1 =	vld [tilespmem:$0x2F0];
	_ =	sdelay $0x2  }
0xaf: {  	v2 =	vld [tilespmem:$0x480];
	_ =	sdelay $0x4  }
0xb0: {  	[tilespmem:v1+s17+$0x0] =	vst.idx.add.f32.msk $0xffff, v2  }
0xb1: {  	[tilespmem:v1+s18+$0x0] =	vst.idx.add.f32.msk $0xffff, v0  }
0xb2: {  	v1 =	vld [tilespmem:$0x300];
	_ =	sdelay $0x2  }
0xb3: {  	v2 =	vld [tilespmem:$0x490];
	_ =	sdelay $0x4  }
0xb4: {  	[tilespmem:v1+s17+$0x0] =	vst.idx.add.f32.msk $0xffff, v2  }
0xb5: {  	[tilespmem:v1+s18+$0x0] =	vst.idx.add.f32.msk $0xffff, v0  }
0xb6: {  	v1 =	vld [tilespmem:$0x310];
	_ =	sdelay $0x2  }
0xb7: {  	v2 =	vld [tilespmem:$0x4A0];
	_ =	sdelay $0x4  }
0xb8: {  	[tilespmem:v1+s17+$0x0] =	vst.idx.add.f32.msk $0xffff, v2  }
0xb9: {  	[tilespmem:v1+s18+$0x0] =	vst.idx.add.f32.msk $0xffff, v0  }
0xba: {  	_ =	swait.ge [sflag:s23], $0x2800  }
0xbb: {  	[sflag:s23] =	ssyncset.done $0x0  }
0xbc: {  	[sflag:s23] =	ssyncadd.s32 $0xFFFFD800  }
0xbd: {  	[spmem:s3] =	stream.indirect.scatter.add.f32 [tilespmem:s22], [sflag:$0x3], $0x80, s8, s21, $0xb8;
	[tilespmem:$0x1DB50] =	vst v63  }
0xbe: {  	p0 =	sne.s32 s10, $0x4B0;
	_ =	swait.ge [sflag:s28], $0x2800  }
.Ltmp0:
0xbf: {  	[sflag:s28] =	ssyncset.done $0x0;
	(pc) =	sbr.rel @p0 .LBB2_2-.Ltmp0, $4  }
0xc0: {  	[sflag:s28] =	ssyncadd.s32 $0xFFFFD800  }
0xc1: {  	_ =	swait.ge [sflag:s31], $0x2800  }
0xc2: {  	[sflag:s31] =	ssyncset.done $0x0  }
0xc3: {  	s10 =	sadd.s32 $0x32, s10;
	[sflag:s31] =	ssyncadd.s32 $0xFFFFD800  }
0xc4: {  	[bflag:$0x0] =	sbarrier.arrive $0xFFFF  }
0xc5: {  	s10 =	rddreg [dreg:$0x7]  }
0xc6: {  	[hbm:s10], [sflag:s7] =	dma.local [spmem:s15], $0x2710  }
0xc7: {  	_ =	swait.ge [sflag:s16], $0x2710  }
0xc8: {  	[sflag:s16] =	ssyncset.done $0x0  }
0xc9: {  	s11 =	rddreg [dreg:$0x8];
	[sflag:s16] =	ssyncadd.s32 $0xFFFFD8F0  }
0xca: {  	[hbm4b:s11+s4] =	stream.linear.scatter [tilespmem:s17], [sflag:$0x5], $0x2710, $0x38;
	[tilespmem:$0x1DB50] =	vst v63  }
0xcb: {  	_ =	swait.ge [sflag:s16], $0x2710  }
0xcc: {  	[sflag:s16] =	ssyncset.done $0x0  }
0xcd: {  	s11 =	rddreg [dreg:$0x9];
	[sflag:s16] =	ssyncadd.s32 $0xFFFFD8F0  }
0xce: {  	[hbm4b:s11+s4] =	stream.linear.scatter [tilespmem:s18], [sflag:$0x5], $0x2710, $0x38;
	[tilespmem:$0x1DB50] =	vst v63  }
0xcf: {  	_ =	swait.ge [sflag:s16], $0x2710  }
0xd0: {  	s9 =	sadd.s32 $0x1, s9;
	s11 =	rddreg [dreg:$0xa]  }
0xd1: {  	p0 =	sne.s32 s9, s11  }
.Ltmp1:
0xd2: {  	_ = 	snop;
	(pc) =	sbr.rel @p0 .LBB2_1-.Ltmp1, $3  }
0xd3: {  	_ =	sdelay $0x1  }
0xd4: {  	[sflag:s16] =	ssyncset.done $0x0  }
0xd5: {  	[sflag:s16] =	ssyncadd.s32 $0xFFFFD8F0  }
0xd6: {  	_ =	sfence.sel $0x180000  }
0xd7: {  	[bflag:$0x0] =	sbarrier.arrive $0xFFFF  }
0xd8: {  	_ =	strace $0x90000047  }
0xd9: {  	s0 =	stileid.u32;
	[bflag:$0x2] =	sbarrier.arrive $0xFFFF  }
0xda: {  	p0 =	sne.s32 s0, $0x0;
	s0 =	rddreg [dreg:$0x5]  }
0xdb: {  	s0 =	sadd.s32 @!p0 $0x100000, s0  }
0xdc: {  	[sflag:s0] =	ssyncadd.tile.s32 @!p0 $0x1;
	_ =	shalt  }
.Lfunc_end2:
_tile_overlayer_lowered:
.L_overlay_start_2:
0xdd: {  	(tag) =	ssettag $0x2  }
0xde: {  	s0 =	rddreg [dreg:$0x0];
	s2 =	stileid.u32  }
0xdf: {  	s1 =	rddreg [dreg:$0x1];
	p0 =	sne.s32 s2, $0x0  }
0xe0: {  	s3 =	rddreg [dreg:$0x2];
	[bflag:$0x3] =	sbarrier.arrive $0xFFFF;
	s2 =	simm.s32 @!p0 $0x1C05  }
0xe1: {  	[timem:s3], [sflag:s2] =	dma.local @!p0 [hbm:s0], s1  }
0xe2: {  	s0 =	simm.s32 @!p0 $0x5  }
0xe3: {  	_ =	swait.ge @!p0 [sflag:s0], s1  }
0xe4: {  	s1 =	ssub.s32 @!p0 $0x0, s1;
	[sflag:s0] =	ssyncset.done @!p0 $0x0  }
0xe5: {  	[sflag:s0] =	ssyncadd.s32 @!p0 s1  }
0xe6: {  	[bflag:$0x3] =	sbarrier.arrive $0xFFFF  }
0xe7: {  	_ =	shalt  }

</sc_bundles>
